<compile_context>
chip_gen: v7x
topology: tpu7x:2x2x1
jax: 0.10.2.dev20260603
libtpu: 0.0.44.dev20260713+nightly
codegen_flags: <defaults>
</compile_context>

<pallas_src>
import jax
import jax.numpy as jnp
from jax import lax
from jax.experimental import pallas as pl
from jax.experimental.pallas import tpu as pltpu
from jax.experimental.pallas import tpu_sc as plsc

_START, _END = 512, 2560
_CHUNK = 32


def _sc_zero_body(o_hbm, zb, sz):
    nbatch, seq, feat = o_hbm.shape
    nc = 2
    wid = lax.axis_index("s") * nc + lax.axis_index("c")
    nw = 32
    n_pad = _START + (seq - _END)
    z_rows = nbatch * n_pad // nw
    per_b = n_pad // z_rows
    b = wid // per_b
    z_off_raw = (wid % per_b) * z_rows
    z_off = jnp.where(
        z_off_raw < _START, z_off_raw, _END + (z_off_raw - _START)
    )

    def zrow(i, c):
        for j in range(feat // 16):
            zb[i, pl.ds(j * 16, 16)] = jnp.zeros((16,), jnp.float32)
        return c

    lax.fori_loop(0, _CHUNK, zrow, 0)

    zdmas = [
        pltpu.make_async_copy(
            zb, o_hbm.at[b, pl.ds(z_off + c * _CHUNK, _CHUNK)], sz
        )
        for c in range(z_rows // _CHUNK)
    ]
    for d in zdmas:
        d.start()
    for d in zdmas:
        d.wait()


def _tc_window_body(g_ref, z_ref, o_ref):
    del z_ref
    o_ref[...] = g_ref[...]


def kernel(grad_last, input):
    b0, b1, g_rows, feat = grad_last.shape
    seq = input.shape[1]
    nb = b0 * b1
    g = grad_last.reshape(nb, g_rows, feat)

    mesh = plsc.VectorSubcoreMesh(core_axis_name="c", subcore_axis_name="s")
    padded = pl.kernel(
        _sc_zero_body,
        out_type=jax.ShapeDtypeStruct((nb, seq, feat), grad_last.dtype),
        mesh=mesh,
        scratch_types=[
            pltpu.VMEM((_CHUNK, feat), jnp.float32),
            pltpu.SemaphoreType.DMA,
        ],
    )()

    blk = 512
    n_wblocks = g_rows // blk
    lo = _START // blk
    out = pl.pallas_call(
        _tc_window_body,
        grid=(nb, n_wblocks),
        in_specs=[
            pl.BlockSpec((1, blk, feat), lambda b, j: (b, j, 0)),
            pl.BlockSpec(memory_space=pltpu.MemorySpace.HBM),
        ],
        out_specs=pl.BlockSpec((1, blk, feat), lambda b, j: (b, j + lo, 0)),
        out_shape=jax.ShapeDtypeStruct((nb, seq, feat), grad_last.dtype),
        input_output_aliases={1: 0},
        compiler_params=pltpu.CompilerParams(
            dimension_semantics=("parallel", "arbitrary"),
        ),
    )(g, padded)
    return out.reshape(b0, b1, seq, feat)

# --- scband reference (transcript-rebuilt; emitter-appended) ---
"""Pipeline reference for scband-slice-grad-50809463111926 (READ-ONLY COPY).

The authoritative reference and input builder live on the scoring server;
editing this copy changes nothing except your own understanding.
"""

import jax, jax.numpy as jnp
import numpy as np

START, END, AXES, STEPS = 512, 2560, 1, 1

def setup_inputs(seed: int = 0) -> dict:
    key = jax.random.key(seed)
    k1, k2 = jax.random.split(key)
    grad_last = jax.random.normal(k1, (2, 2, 2048, 1024), dtype=jnp.float32)
    input = jax.random.normal(k2, (2, 4096, 1024), dtype=jnp.float32)
    return {"grad_last": grad_last, "input": input}

def reference(grad_last, input):
    assert STEPS == 1
    assert AXES > 0
    input_shape = input.shape
    end = min(END, input_shape[AXES])
    start = START
    # out = zeros(*x.shape[:2], *input_shape[1:])
    out = jnp.zeros(tuple(grad_last.shape[:2]) + tuple(input_shape[1:]), dtype=grad_last.dtype)
    # scatter-overwrite grad_last into out along dim (axes + 1) at indices [start, end)
    idx = jnp.arange(start, end)
    ix = tuple([slice(None)] * (AXES + 1)) + (idx,)
    out = out.at[ix].set(grad_last)
    return out

if __name__ == "__main__":
    import jax
    _d = setup_inputs()
    print(jax.jit(kernel)(*tuple(_d.values())))

</pallas_src>

<mosaic_0001>
#map = affine_map<(d0, d1) -> (0, 0, 0)>
module attributes {stable_mosaic.version = 14 : i64} {
  func.func @_sc_zero_body(%arg0: i32, %arg1: i32, %arg2: memref<4x4096x1024xf32, #tpu.memory_space<hbm>>, %arg3: memref<32x1024xf32, #tpu.memory_space<vmem>>, %arg4: memref<!tpu.dma_semaphore, #tpu.memory_space<semaphore_mem>>) attributes {dimension_semantics = [#tpu.dimension_semantics<core_parallel>, #tpu.dimension_semantics<subcore_parallel>], iteration_bounds = array<i64: 2, 16>, scalar_prefetch = 0 : i64, scratch_operands = 2 : i64, tpu.core_type = #tpu.core_type<sc_vector_subcore>, window_params = [{transform_indices = #map}]} {
    %mul3A = arith.constant 2 : i32
    %mul3A_0 = arith.muli %arg1, %mul3A : i32
    %add3A = arith.addi %mul3A_0, %arg0 : i32
    %jit3A = arith.constant 8 : i32
    %div3A = arith.divsi %add3A, %jit3A : i32
    %sign3A = arith.constant 0 : i32
    %sign3A_1 = arith.cmpi sgt, %add3A, %sign3A : i32
    %sign3A_2 = arith.extui %sign3A_1 : i1 to i32
    %sign3A_3 = arith.constant 0 : i32
    %sign3A_4 = arith.cmpi slt, %add3A, %sign3A_3 : i32
    %sign3A_5 = arith.extui %sign3A_4 : i1 to i32
    %sign3A_6 = arith.subi %sign3A_2, %sign3A_5 : i32
    %sign3A_7 = arith.constant 0 : i32
    %sign3A_8 = arith.cmpi sgt, %jit3A, %sign3A_7 : i32
    %sign3A_9 = arith.extui %sign3A_8 : i1 to i32
    %sign3A_10 = arith.constant 0 : i32
    %sign3A_11 = arith.cmpi slt, %jit3A, %sign3A_10 : i32
    %sign3A_12 = arith.extui %sign3A_11 : i1 to i32
    %sign3A_13 = arith.subi %sign3A_9, %sign3A_12 : i32
    %ne3A = arith.cmpi ne, %sign3A_6, %sign3A_13 : i32
    %rem3A = arith.remsi %add3A, %jit3A : i32
    %ne3A_14 = arith.constant 0 : i32
    %ne3A_15 = arith.cmpi ne, %rem3A, %ne3A_14 : i32
    %and3A = arith.andi %ne3A, %ne3A_15 : i1
    %sub3A = arith.constant 1 : i32
    %sub3A_16 = arith.subi %div3A, %sub3A : i32
    %select_n3A = arith.select %and3A, %sub3A_16, %div3A : i32
    %jit3A_17 = arith.constant 8 : i32
    %eq3A = arith.constant 0 : i32
    %eq3A_18 = arith.cmpi eq, %jit3A_17, %eq3A : i32
    %jit3A_19 = arith.constant 1 : i32
    %select_n3A_20 = arith.select %eq3A_18, %jit3A_19, %jit3A_17 : i32
    %rem3A_21 = arith.remsi %add3A, %select_n3A_20 : i32
    %ne3A_22 = arith.constant 0 : i32
    %ne3A_23 = arith.cmpi ne, %rem3A_21, %ne3A_22 : i32
    %lt3A = arith.constant 0 : i32
    %lt3A_24 = arith.cmpi slt, %rem3A_21, %lt3A : i32
    %lt3A_25 = arith.constant 0 : i32
    %lt3A_26 = arith.cmpi slt, %select_n3A_20, %lt3A_25 : i32
    %ne3A_27 = arith.xori %lt3A_24, %lt3A_26 : i1
    %and3A_28 = arith.andi %ne3A_27, %ne3A_23 : i1
    %add3A_29 = arith.addi %rem3A_21, %select_n3A_20 : i32
    %select_n3A_30 = arith.select %and3A_28, %add3A_29, %rem3A_21 : i32
    %mul3A_31 = arith.constant 256 : i32
    %mul3A_32 = arith.muli %select_n3A_30, %mul3A_31 : i32
    %lt3A_33 = arith.constant 512 : i32
    %lt3A_34 = arith.cmpi slt, %mul3A_32, %lt3A_33 : i32
    %sub3A_35 = arith.constant 512 : i32
    %sub3A_36 = arith.subi %mul3A_32, %sub3A_35 : i32
    %add3A_37 = arith.constant 2560 : i32
    %add3A_38 = arith.addi %add3A_37, %sub3A_36 : i32
    %select_n3A_39 = arith.select %lt3A_34, %mul3A_32, %add3A_38 : i32
    %scan3A = arith.constant 0 : i32
    %scan3A_40 = arith.constant 0 : i32
    %scan3A_41 = arith.constant 32 : i32
    %scan3A_42 = arith.addi %scan3A_40, %scan3A_41 : i32
    %scan3A_43 = arith.constant 1 : i32
    scf.for %scan3A_155 = %scan3A_40 to %scan3A_42 step %scan3A_43  : i32 {
      %broadcast_in_dim3A = arith.constant 0.000000e+00 : f32
      %broadcast_in_dim3A_156 = vector.broadcast %broadcast_in_dim3A : f32 to vector<16xf32>
      %swap3A = arith.index_cast %scan3A_155 : i32 to index
      %swap3A_157 = arith.constant 0 : index
      %swap3A_158 = tpu.vector_load %arg3[%swap3A, %swap3A_157] {strides = array<i32>} : memref<32x1024xf32, #tpu.memory_space<vmem>>, vector<1x16xf32>,
      %swap3A_159 = vector.shape_cast %swap3A_158 : vector<1x16xf32> to vector<16xf32>
      %swap3A_160 = vector.shape_cast %broadcast_in_dim3A_156 : vector<16xf32> to vector<1x16xf32>
      tpu.vector_store %arg3[%swap3A, %swap3A_157], %swap3A_160 {strides = array<i32>} : memref<32x1024xf32, #tpu.memory_space<vmem>>, vector<1x16xf32>,
      %broadcast_in_dim3A_161 = arith.constant 0.000000e+00 : f32
      %broadcast_in_dim3A_162 = vector.broadcast %broadcast_in_dim3A_161 : f32 to vector<16xf32>
      %swap3A_163 = arith.index_cast %scan3A_155 : i32 to index
      %swap3A_164 = arith.constant 16 : index
      %swap3A_165 = tpu.vector_load %arg3[%swap3A_163, %swap3A_164] {strides = array<i32>} : memref<32x1024xf32, #tpu.memory_space<vmem>>, vector<1x16xf32>,
      %swap3A_166 = vector.shape_cast %swap3A_165 : vector<1x16xf32> to vector<16xf32>
      %swap3A_167 = vector.shape_cast %broadcast_in_dim3A_162 : vector<16xf32> to vector<1x16xf32>
      tpu.vector_store %arg3[%swap3A_163, %swap3A_164], %swap3A_167 {strides = array<i32>} : memref<32x1024xf32, #tpu.memory_space<vmem>>, vector<1x16xf32>,
      %broadcast_in_dim3A_168 = arith.constant 0.000000e+00 : f32
      %broadcast_in_dim3A_169 = vector.broadcast %broadcast_in_dim3A_168 : f32 to vector<16xf32>
      %swap3A_170 = arith.index_cast %scan3A_155 : i32 to index
      %swap3A_171 = arith.constant 32 : index
      %swap3A_172 = tpu.vector_load %arg3[%swap3A_170, %swap3A_171] {strides = array<i32>} : memref<32x1024xf32, #tpu.memory_space<vmem>>, vector<1x16xf32>,
      %swap3A_173 = vector.shape_cast %swap3A_172 : vector<1x16xf32> to vector<16xf32>
      %swap3A_174 = vector.shape_cast %broadcast_in_dim3A_169 : vector<16xf32> to vector<1x16xf32>
      tpu.vector_store %arg3[%swap3A_170, %swap3A_171], %swap3A_174 {strides = array<i32>} : memref<32x1024xf32, #tpu.memory_space<vmem>>, vector<1x16xf32>,
      %broadcast_in_dim3A_175 = arith.constant 0.000000e+00 : f32
      %broadcast_in_dim3A_176 = vector.broadcast %broadcast_in_dim3A_175 : f32 to vector<16xf32>
      %swap3A_177 = arith.index_cast %scan3A_155 : i32 to index
      %swap3A_178 = arith.constant 48 : index
      %swap3A_179 = tpu.vector_load %arg3[%swap3A_177, %swap3A_178] {strides = array<i32>} : memref<32x1024xf32, #tpu.memory_space<vmem>>, vector<1x16xf32>,
      %swap3A_180 = vector.shape_cast %swap3A_179 : vector<1x16xf32> to vector<16xf32>
      %swap3A_181 = vector.shape_cast %broadcast_in_dim3A_176 : vector<16xf32> to vector<1x16xf32>
      tpu.vector_store %arg3[%swap3A_177, %swap3A_178], %swap3A_181 {strides = array<i32>} : memref<32x1024xf32, #tpu.memory_space<vmem>>, vector<1x16xf32>,
      %broadcast_in_dim3A_182 = arith.constant 0.000000e+00 : f32
      %broadcast_in_dim3A_183 = vector.broadcast %broadcast_in_dim3A_182 : f32 to vector<16xf32>
      %swap3A_184 = arith.index_cast %scan3A_155 : i32 to index
      %swap3A_185 = arith.constant 64 : index
      %swap3A_186 = tpu.vector_load %arg3[%swap3A_184, %swap3A_185] {strides = array<i32>} : memref<32x1024xf32, #tpu.memory_space<vmem>>, vector<1x16xf32>,
      %swap3A_187 = vector.shape_cast %swap3A_186 : vector<1x16xf32> to vector<16xf32>
      %swap3A_188 = vector.shape_cast %broadcast_in_dim3A_183 : vector<16xf32> to vector<1x16xf32>
      tpu.vector_store %arg3[%swap3A_184, %swap3A_185], %swap3A_188 {strides = array<i32>} : memref<32x1024xf32, #tpu.memory_space<vmem>>, vector<1x16xf32>,
      %broadcast_in_dim3A_189 = arith.constant 0.000000e+00 : f32
      %broadcast_in_dim3A_190 = vector.broadcast %broadcast_in_dim3A_189 : f32 to vector<16xf32>
      %swap3A_191 = arith.index_cast %scan3A_155 : i32 to index
      %swap3A_192 = arith.constant 80 : index
      %swap3A_193 = tpu.vector_load %arg3[%swap3A_191, %swap3A_192] {strides = array<i32>} : memref<32x1024xf32, #tpu.memory_space<vmem>>, vector<1x16xf32>,
      %swap3A_194 = vector.shape_cast %swap3A_193 : vector<1x16xf32> to vector<16xf32>
      %swap3A_195 = vector.shape_cast %broadcast_in_dim3A_190 : vector<16xf32> to vector<1x16xf32>
      tpu.vector_store %arg3[%swap3A_191, %swap3A_192], %swap3A_195 {strides = array<i32>} : memref<32x1024xf32, #tpu.memory_space<vmem>>, vector<1x16xf32>,
      %broadcast_in_dim3A_196 = arith.constant 0.000000e+00 : f32
      %broadcast_in_dim3A_197 = vector.broadcast %broadcast_in_dim3A_196 : f32 to vector<16xf32>
      %swap3A_198 = arith.index_cast %scan3A_155 : i32 to index
      %swap3A_199 = arith.constant 96 : index
      %swap3A_200 = tpu.vector_load %arg3[%swap3A_198, %swap3A_199] {strides = array<i32>} : memref<32x1024xf32, #tpu.memory_space<vmem>>, vector<1x16xf32>,
      %swap3A_201 = vector.shape_cast %swap3A_200 : vector<1x16xf32> to vector<16xf32>
      %swap3A_202 = vector.shape_cast %broadcast_in_dim3A_197 : vector<16xf32> to vector<1x16xf32>
      tpu.vector_store %arg3[%swap3A_198, %swap3A_199], %swap3A_202 {strides = array<i32>} : memref<32x1024xf32, #tpu.memory_space<vmem>>, vector<1x16xf32>,
      %broadcast_in_dim3A_203 = arith.constant 0.000000e+00 : f32
      %broadcast_in_dim3A_204 = vector.broadcast %broadcast_in_dim3A_203 : f32 to vector<16xf32>
      %swap3A_205 = arith.index_cast %scan3A_155 : i32 to index
      %swap3A_206 = arith.constant 112 : index
      %swap3A_207 = tpu.vector_load %arg3[%swap3A_205, %swap3A_206] {strides = array<i32>} : memref<32x1024xf32, #tpu.memory_space<vmem>>, vector<1x16xf32>,
      %swap3A_208 = vector.shape_cast %swap3A_207 : vector<1x16xf32> to vector<16xf32>
      %swap3A_209 = vector.shape_cast %broadcast_in_dim3A_204 : vector<16xf32> to vector<1x16xf32>
      tpu.vector_store %arg3[%swap3A_205, %swap3A_206], %swap3A_209 {strides = array<i32>} : memref<32x1024xf32, #tpu.memory_space<vmem>>, vector<1x16xf32>,
      %broadcast_in_dim3A_210 = arith.constant 0.000000e+00 : f32
      %broadcast_in_dim3A_211 = vector.broadcast %broadcast_in_dim3A_210 : f32 to vector<16xf32>
      %swap3A_212 = arith.index_cast %scan3A_155 : i32 to index
      %swap3A_213 = arith.constant 128 : index
      %swap3A_214 = tpu.vector_load %arg3[%swap3A_212, %swap3A_213] {strides = array<i32>} : memref<32x1024xf32, #tpu.memory_space<vmem>>, vector<1x16xf32>,
      %swap3A_215 = vector.shape_cast %swap3A_214 : vector<1x16xf32> to vector<16xf32>
      %swap3A_216 = vector.shape_cast %broadcast_in_dim3A_211 : vector<16xf32> to vector<1x16xf32>
      tpu.vector_store %arg3[%swap3A_212, %swap3A_213], %swap3A_216 {strides = array<i32>} : memref<32x1024xf32, #tpu.memory_space<vmem>>, vector<1x16xf32>,
      %broadcast_in_dim3A_217 = arith.constant 0.000000e+00 : f32
      %broadcast_in_dim3A_218 = vector.broadcast %broadcast_in_dim3A_217 : f32 to vector<16xf32>
      %swap3A_219 = arith.index_cast %scan3A_155 : i32 to index
      %swap3A_220 = arith.constant 144 : index
      %swap3A_221 = tpu.vector_load %arg3[%swap3A_219, %swap3A_220] {strides = array<i32>} : memref<32x1024xf32, #tpu.memory_space<vmem>>, vector<1x16xf32>,
      %swap3A_222 = vector.shape_cast %swap3A_221 : vector<1x16xf32> to vector<16xf32>
      %swap3A_223 = vector.shape_cast %broadcast_in_dim3A_218 : vector<16xf32> to vector<1x16xf32>
      tpu.vector_store %arg3[%swap3A_219, %swap3A_220], %swap3A_223 {strides = array<i32>} : memref<32x1024xf32, #tpu.memory_space<vmem>>, vector<1x16xf32>,
      %broadcast_in_dim3A_224 = arith.constant 0.000000e+00 : f32
      %broadcast_in_dim3A_225 = vector.broadcast %broadcast_in_dim3A_224 : f32 to vector<16xf32>
      %swap3A_226 = arith.index_cast %scan3A_155 : i32 to index
      %swap3A_227 = arith.constant 160 : index
      %swap3A_228 = tpu.vector_load %arg3[%swap3A_226, %swap3A_227] {strides = array<i32>} : memref<32x1024xf32, #tpu.memory_space<vmem>>, vector<1x16xf32>,
      %swap3A_229 = vector.shape_cast %swap3A_228 : vector<1x16xf32> to vector<16xf32>
      %swap3A_230 = vector.shape_cast %broadcast_in_dim3A_225 : vector<16xf32> to vector<1x16xf32>
      tpu.vector_store %arg3[%swap3A_226, %swap3A_227], %swap3A_230 {strides = array<i32>} : memref<32x1024xf32, #tpu.memory_space<vmem>>, vector<1x16xf32>,
      %broadcast_in_dim3A_231 = arith.constant 0.000000e+00 : f32
      %broadcast_in_dim3A_232 = vector.broadcast %broadcast_in_dim3A_231 : f32 to vector<16xf32>
      %swap3A_233 = arith.index_cast %scan3A_155 : i32 to index
      %swap3A_234 = arith.constant 176 : index
      %swap3A_235 = tpu.vector_load %arg3[%swap3A_233, %swap3A_234] {strides = array<i32>} : memref<32x1024xf32, #tpu.memory_space<vmem>>, vector<1x16xf32>,
      %swap3A_236 = vector.shape_cast %swap3A_235 : vector<1x16xf32> to vector<16xf32>
      %swap3A_237 = vector.shape_cast %broadcast_in_dim3A_232 : vector<16xf32> to vector<1x16xf32>
      tpu.vector_store %arg3[%swap3A_233, %swap3A_234], %swap3A_237 {strides = array<i32>} : memref<32x1024xf32, #tpu.memory_space<vmem>>, vector<1x16xf32>,
      %broadcast_in_dim3A_238 = arith.constant 0.000000e+00 : f32
      %broadcast_in_dim3A_239 = vector.broadcast %broadcast_in_dim3A_238 : f32 to vector<16xf32>
      %swap3A_240 = arith.index_cast %scan3A_155 : i32 to index
      %swap3A_241 = arith.constant 192 : index
      %swap3A_242 = tpu.vector_load %arg3[%swap3A_240, %swap3A_241] {strides = array<i32>} : memref<32x1024xf32, #tpu.memory_space<vmem>>, vector<1x16xf32>,
      %swap3A_243 = vector.shape_cast %swap3A_242 : vector<1x16xf32> to vector<16xf32>
      %swap3A_244 = vector.shape_cast %broadcast_in_dim3A_239 : vector<16xf32> to vector<1x16xf32>
      tpu.vector_store %arg3[%swap3A_240, %swap3A_241], %swap3A_244 {strides = array<i32>} : memref<32x1024xf32, #tpu.memory_space<vmem>>, vector<1x16xf32>,
      %broadcast_in_dim3A_245 = arith.constant 0.000000e+00 : f32
      %broadcast_in_dim3A_246 = vector.broadcast %broadcast_in_dim3A_245 : f32 to vector<16xf32>
      %swap3A_247 = arith.index_cast %scan3A_155 : i32 to index
      %swap3A_248 = arith.constant 208 : index
      %swap3A_249 = tpu.vector_load %arg3[%swap3A_247, %swap3A_248] {strides = array<i32>} : memref<32x1024xf32, #tpu.memory_space<vmem>>, vector<1x16xf32>,
      %swap3A_250 = vector.shape_cast %swap3A_249 : vector<1x16xf32> to vector<16xf32>
      %swap3A_251 = vector.shape_cast %broadcast_in_dim3A_246 : vector<16xf32> to vector<1x16xf32>
      tpu.vector_store %arg3[%swap3A_247, %swap3A_248], %swap3A_251 {strides = array<i32>} : memref<32x1024xf32, #tpu.memory_space<vmem>>, vector<1x16xf32>,
      %broadcast_in_dim3A_252 = arith.constant 0.000000e+00 : f32
      %broadcast_in_dim3A_253 = vector.broadcast %broadcast_in_dim3A_252 : f32 to vector<16xf32>
      %swap3A_254 = arith.index_cast %scan3A_155 : i32 to index
      %swap3A_255 = arith.constant 224 : index
      %swap3A_256 = tpu.vector_load %arg3[%swap3A_254, %swap3A_255] {strides = array<i32>} : memref<32x1024xf32, #tpu.memory_space<vmem>>, vector<1x16xf32>,
      %swap3A_257 = vector.shape_cast %swap3A_256 : vector<1x16xf32> to vector<16xf32>
      %swap3A_258 = vector.shape_cast %broadcast_in_dim3A_253 : vector<16xf32> to vector<1x16xf32>
      tpu.vector_store %arg3[%swap3A_254, %swap3A_255], %swap3A_258 {strides = array<i32>} : memref<32x1024xf32, #tpu.memory_space<vmem>>, vector<1x16xf32>,
      %broadcast_in_dim3A_259 = arith.constant 0.000000e+00 : f32
      %broadcast_in_dim3A_260 = vector.broadcast %broadcast_in_dim3A_259 : f32 to vector<16xf32>
      %swap3A_261 = arith.index_cast %scan3A_155 : i32 to index
      %swap3A_262 = arith.constant 240 : index
      %swap3A_263 = tpu.vector_load %arg3[%swap3A_261, %swap3A_262] {strides = array<i32>} : memref<32x1024xf32, #tpu.memory_space<vmem>>, vector<1x16xf32>,
      %swap3A_264 = vector.shape_cast %swap3A_263 : vector<1x16xf32> to vector<16xf32>
      %swap3A_265 = vector.shape_cast %broadcast_in_dim3A_260 : vector<16xf32> to vector<1x16xf32>
      tpu.vector_store %arg3[%swap3A_261, %swap3A_262], %swap3A_265 {strides = array<i32>} : memref<32x1024xf32, #tpu.memory_space<vmem>>, vector<1x16xf32>,
      %broadcast_in_dim3A_266 = arith.constant 0.000000e+00 : f32
      %broadcast_in_dim3A_267 = vector.broadcast %broadcast_in_dim3A_266 : f32 to vector<16xf32>
      %swap3A_268 = arith.index_cast %scan3A_155 : i32 to index
      %swap3A_269 = arith.constant 256 : index
      %swap3A_270 = tpu.vector_load %arg3[%swap3A_268, %swap3A_269] {strides = array<i32>} : memref<32x1024xf32, #tpu.memory_space<vmem>>, vector<1x16xf32>,
      %swap3A_271 = vector.shape_cast %swap3A_270 : vector<1x16xf32> to vector<16xf32>
      %swap3A_272 = vector.shape_cast %broadcast_in_dim3A_267 : vector<16xf32> to vector<1x16xf32>
      tpu.vector_store %arg3[%swap3A_268, %swap3A_269], %swap3A_272 {strides = array<i32>} : memref<32x1024xf32, #tpu.memory_space<vmem>>, vector<1x16xf32>,
      %broadcast_in_dim3A_273 = arith.constant 0.000000e+00 : f32
      %broadcast_in_dim3A_274 = vector.broadcast %broadcast_in_dim3A_273 : f32 to vector<16xf32>
      %swap3A_275 = arith.index_cast %scan3A_155 : i32 to index
      %swap3A_276 = arith.constant 272 : index
      %swap3A_277 = tpu.vector_load %arg3[%swap3A_275, %swap3A_276] {strides = array<i32>} : memref<32x1024xf32, #tpu.memory_space<vmem>>, vector<1x16xf32>,
      %swap3A_278 = vector.shape_cast %swap3A_277 : vector<1x16xf32> to vector<16xf32>
      %swap3A_279 = vector.shape_cast %broadcast_in_dim3A_274 : vector<16xf32> to vector<1x16xf32>
      tpu.vector_store %arg3[%swap3A_275, %swap3A_276], %swap3A_279 {strides = array<i32>} : memref<32x1024xf32, #tpu.memory_space<vmem>>, vector<1x16xf32>,
      %broadcast_in_dim3A_280 = arith.constant 0.000000e+00 : f32
      %broadcast_in_dim3A_281 = vector.broadcast %broadcast_in_dim3A_280 : f32 to vector<16xf32>
      %swap3A_282 = arith.index_cast %scan3A_155 : i32 to index
      %swap3A_283 = arith.constant 288 : index
      %swap3A_284 = tpu.vector_load %arg3[%swap3A_282, %swap3A_283] {strides = array<i32>} : memref<32x1024xf32, #tpu.memory_space<vmem>>, vector<1x16xf32>,
      %swap3A_285 = vector.shape_cast %swap3A_284 : vector<1x16xf32> to vector<16xf32>
      %swap3A_286 = vector.shape_cast %broadcast_in_dim3A_281 : vector<16xf32> to vector<1x16xf32>
      tpu.vector_store %arg3[%swap3A_282, %swap3A_283], %swap3A_286 {strides = array<i32>} : memref<32x1024xf32, #tpu.memory_space<vmem>>, vector<1x16xf32>,
      %broadcast_in_dim3A_287 = arith.constant 0.000000e+00 : f32
      %broadcast_in_dim3A_288 = vector.broadcast %broadcast_in_dim3A_287 : f32 to vector<16xf32>
      %swap3A_289 = arith.index_cast %scan3A_155 : i32 to index
      %swap3A_290 = arith.constant 304 : index
      %swap3A_291 = tpu.vector_load %arg3[%swap3A_289, %swap3A_290] {strides = array<i32>} : memref<32x1024xf32, #tpu.memory_space<vmem>>, vector<1x16xf32>,
      %swap3A_292 = vector.shape_cast %swap3A_291 : vector<1x16xf32> to vector<16xf32>
      %swap3A_293 = vector.shape_cast %broadcast_in_dim3A_288 : vector<16xf32> to vector<1x16xf32>
      tpu.vector_store %arg3[%swap3A_289, %swap3A_290], %swap3A_293 {strides = array<i32>} : memref<32x1024xf32, #tpu.memory_space<vmem>>, vector<1x16xf32>,
      %broadcast_in_dim3A_294 = arith.constant 0.000000e+00 : f32
      %broadcast_in_dim3A_295 = vector.broadcast %broadcast_in_dim3A_294 : f32 to vector<16xf32>
      %swap3A_296 = arith.index_cast %scan3A_155 : i32 to index
      %swap3A_297 = arith.constant 320 : index
      %swap3A_298 = tpu.vector_load %arg3[%swap3A_296, %swap3A_297] {strides = array<i32>} : memref<32x1024xf32, #tpu.memory_space<vmem>>, vector<1x16xf32>,
      %swap3A_299 = vector.shape_cast %swap3A_298 : vector<1x16xf32> to vector<16xf32>
      %swap3A_300 = vector.shape_cast %broadcast_in_dim3A_295 : vector<16xf32> to vector<1x16xf32>
      tpu.vector_store %arg3[%swap3A_296, %swap3A_297], %swap3A_300 {strides = array<i32>} : memref<32x1024xf32, #tpu.memory_space<vmem>>, vector<1x16xf32>,
      %broadcast_in_dim3A_301 = arith.constant 0.000000e+00 : f32
      %broadcast_in_dim3A_302 = vector.broadcast %broadcast_in_dim3A_301 : f32 to vector<16xf32>
      %swap3A_303 = arith.index_cast %scan3A_155 : i32 to index
      %swap3A_304 = arith.constant 336 : index
      %swap3A_305 = tpu.vector_load %arg3[%swap3A_303, %swap3A_304] {strides = array<i32>} : memref<32x1024xf32, #tpu.memory_space<vmem>>, vector<1x16xf32>,
      %swap3A_306 = vector.shape_cast %swap3A_305 : vector<1x16xf32> to vector<16xf32>
      %swap3A_307 = vector.shape_cast %broadcast_in_dim3A_302 : vector<16xf32> to vector<1x16xf32>
      tpu.vector_store %arg3[%swap3A_303, %swap3A_304], %swap3A_307 {strides = array<i32>} : memref<32x1024xf32, #tpu.memory_space<vmem>>, vector<1x16xf32>,
      %broadcast_in_dim3A_308 = arith.constant 0.000000e+00 : f32
      %broadcast_in_dim3A_309 = vector.broadcast %broadcast_in_dim3A_308 : f32 to vector<16xf32>
      %swap3A_310 = arith.index_cast %scan3A_155 : i32 to index
      %swap3A_311 = arith.constant 352 : index
      %swap3A_312 = tpu.vector_load %arg3[%swap3A_310, %swap3A_311] {strides = array<i32>} : memref<32x1024xf32, #tpu.memory_space<vmem>>, vector<1x16xf32>,
      %swap3A_313 = vector.shape_cast %swap3A_312 : vector<1x16xf32> to vector<16xf32>
      %swap3A_314 = vector.shape_cast %broadcast_in_dim3A_309 : vector<16xf32> to vector<1x16xf32>
      tpu.vector_store %arg3[%swap3A_310, %swap3A_311], %swap3A_314 {strides = array<i32>} : memref<32x1024xf32, #tpu.memory_space<vmem>>, vector<1x16xf32>,
      %broadcast_in_dim3A_315 = arith.constant 0.000000e+00 : f32
      %broadcast_in_dim3A_316 = vector.broadcast %broadcast_in_dim3A_315 : f32 to vector<16xf32>
      %swap3A_317 = arith.index_cast %scan3A_155 : i32 to index
      %swap3A_318 = arith.constant 368 : index
      %swap3A_319 = tpu.vector_load %arg3[%swap3A_317, %swap3A_318] {strides = array<i32>} : memref<32x1024xf32, #tpu.memory_space<vmem>>, vector<1x16xf32>,
      %swap3A_320 = vector.shape_cast %swap3A_319 : vector<1x16xf32> to vector<16xf32>
      %swap3A_321 = vector.shape_cast %broadcast_in_dim3A_316 : vector<16xf32> to vector<1x16xf32>
      tpu.vector_store %arg3[%swap3A_317, %swap3A_318], %swap3A_321 {strides = array<i32>} : memref<32x1024xf32, #tpu.memory_space<vmem>>, vector<1x16xf32>,
      %broadcast_in_dim3A_322 = arith.constant 0.000000e+00 : f32
      %broadcast_in_dim3A_323 = vector.broadcast %broadcast_in_dim3A_322 : f32 to vector<16xf32>
      %swap3A_324 = arith.index_cast %scan3A_155 : i32 to index
      %swap3A_325 = arith.constant 384 : index
      %swap3A_326 = tpu.vector_load %arg3[%swap3A_324, %swap3A_325] {strides = array<i32>} : memref<32x1024xf32, #tpu.memory_space<vmem>>, vector<1x16xf32>,
      %swap3A_327 = vector.shape_cast %swap3A_326 : vector<1x16xf32> to vector<16xf32>
      %swap3A_328 = vector.shape_cast %broadcast_in_dim3A_323 : vector<16xf32> to vector<1x16xf32>
      tpu.vector_store %arg3[%swap3A_324, %swap3A_325], %swap3A_328 {strides = array<i32>} : memref<32x1024xf32, #tpu.memory_space<vmem>>, vector<1x16xf32>,
      %broadcast_in_dim3A_329 = arith.constant 0.000000e+00 : f32
      %broadcast_in_dim3A_330 = vector.broadcast %broadcast_in_dim3A_329 : f32 to vector<16xf32>
      %swap3A_331 = arith.index_cast %scan3A_155 : i32 to index
      %swap3A_332 = arith.constant 400 : index
      %swap3A_333 = tpu.vector_load %arg3[%swap3A_331, %swap3A_332] {strides = array<i32>} : memref<32x1024xf32, #tpu.memory_space<vmem>>, vector<1x16xf32>,
      %swap3A_334 = vector.shape_cast %swap3A_333 : vector<1x16xf32> to vector<16xf32>
      %swap3A_335 = vector.shape_cast %broadcast_in_dim3A_330 : vector<16xf32> to vector<1x16xf32>
      tpu.vector_store %arg3[%swap3A_331, %swap3A_332], %swap3A_335 {strides = array<i32>} : memref<32x1024xf32, #tpu.memory_space<vmem>>, vector<1x16xf32>,
      %broadcast_in_dim3A_336 = arith.constant 0.000000e+00 : f32
      %broadcast_in_dim3A_337 = vector.broadcast %broadcast_in_dim3A_336 : f32 to vector<16xf32>
      %swap3A_338 = arith.index_cast %scan3A_155 : i32 to index
      %swap3A_339 = arith.constant 416 : index
      %swap3A_340 = tpu.vector_load %arg3[%swap3A_338, %swap3A_339] {strides = array<i32>} : memref<32x1024xf32, #tpu.memory_space<vmem>>, vector<1x16xf32>,
      %swap3A_341 = vector.shape_cast %swap3A_340 : vector<1x16xf32> to vector<16xf32>
      %swap3A_342 = vector.shape_cast %broadcast_in_dim3A_337 : vector<16xf32> to vector<1x16xf32>
      tpu.vector_store %arg3[%swap3A_338, %swap3A_339], %swap3A_342 {strides = array<i32>} : memref<32x1024xf32, #tpu.memory_space<vmem>>, vector<1x16xf32>,
      %broadcast_in_dim3A_343 = arith.constant 0.000000e+00 : f32
      %broadcast_in_dim3A_344 = vector.broadcast %broadcast_in_dim3A_343 : f32 to vector<16xf32>
      %swap3A_345 = arith.index_cast %scan3A_155 : i32 to index
      %swap3A_346 = arith.constant 432 : index
      %swap3A_347 = tpu.vector_load %arg3[%swap3A_345, %swap3A_346] {strides = array<i32>} : memref<32x1024xf32, #tpu.memory_space<vmem>>, vector<1x16xf32>,
      %swap3A_348 = vector.shape_cast %swap3A_347 : vector<1x16xf32> to vector<16xf32>
      %swap3A_349 = vector.shape_cast %broadcast_in_dim3A_344 : vector<16xf32> to vector<1x16xf32>
      tpu.vector_store %arg3[%swap3A_345, %swap3A_346], %swap3A_349 {strides = array<i32>} : memref<32x1024xf32, #tpu.memory_space<vmem>>, vector<1x16xf32>,
      %broadcast_in_dim3A_350 = arith.constant 0.000000e+00 : f32
      %broadcast_in_dim3A_351 = vector.broadcast %broadcast_in_dim3A_350 : f32 to vector<16xf32>
      %swap3A_352 = arith.index_cast %scan3A_155 : i32 to index
      %swap3A_353 = arith.constant 448 : index
      %swap3A_354 = tpu.vector_load %arg3[%swap3A_352, %swap3A_353] {strides = array<i32>} : memref<32x1024xf32, #tpu.memory_space<vmem>>, vector<1x16xf32>,
      %swap3A_355 = vector.shape_cast %swap3A_354 : vector<1x16xf32> to vector<16xf32>
      %swap3A_356 = vector.shape_cast %broadcast_in_dim3A_351 : vector<16xf32> to vector<1x16xf32>
      tpu.vector_store %arg3[%swap3A_352, %swap3A_353], %swap3A_356 {strides = array<i32>} : memref<32x1024xf32, #tpu.memory_space<vmem>>, vector<1x16xf32>,
      %broadcast_in_dim3A_357 = arith.constant 0.000000e+00 : f32
      %broadcast_in_dim3A_358 = vector.broadcast %broadcast_in_dim3A_357 : f32 to vector<16xf32>
      %swap3A_359 = arith.index_cast %scan3A_155 : i32 to index
      %swap3A_360 = arith.constant 464 : index
      %swap3A_361 = tpu.vector_load %arg3[%swap3A_359, %swap3A_360] {strides = array<i32>} : memref<32x1024xf32, #tpu.memory_space<vmem>>, vector<1x16xf32>,
      %swap3A_362 = vector.shape_cast %swap3A_361 : vector<1x16xf32> to vector<16xf32>
      %swap3A_363 = vector.shape_cast %broadcast_in_dim3A_358 : vector<16xf32> to vector<1x16xf32>
      tpu.vector_store %arg3[%swap3A_359, %swap3A_360], %swap3A_363 {strides = array<i32>} : memref<32x1024xf32, #tpu.memory_space<vmem>>, vector<1x16xf32>,
      %broadcast_in_dim3A_364 = arith.constant 0.000000e+00 : f32
      %broadcast_in_dim3A_365 = vector.broadcast %broadcast_in_dim3A_364 : f32 to vector<16xf32>
      %swap3A_366 = arith.index_cast %scan3A_155 : i32 to index
      %swap3A_367 = arith.constant 480 : index
      %swap3A_368 = tpu.vector_load %arg3[%swap3A_366, %swap3A_367] {strides = array<i32>} : memref<32x1024xf32, #tpu.memory_space<vmem>>, vector<1x16xf32>,
      %swap3A_369 = vector.shape_cast %swap3A_368 : vector<1x16xf32> to vector<16xf32>
      %swap3A_370 = vector.shape_cast %broadcast_in_dim3A_365 : vector<16xf32> to vector<1x16xf32>
      tpu.vector_store %arg3[%swap3A_366, %swap3A_367], %swap3A_370 {strides = array<i32>} : memref<32x1024xf32, #tpu.memory_space<vmem>>, vector<1x16xf32>,
      %broadcast_in_dim3A_371 = arith.constant 0.000000e+00 : f32
      %broadcast_in_dim3A_372 = vector.broadcast %broadcast_in_dim3A_371 : f32 to vector<16xf32>
      %swap3A_373 = arith.index_cast %scan3A_155 : i32 to index
      %swap3A_374 = arith.constant 496 : index
      %swap3A_375 = tpu.vector_load %arg3[%swap3A_373, %swap3A_374] {strides = array<i32>} : memref<32x1024xf32, #tpu.memory_space<vmem>>, vector<1x16xf32>,
      %swap3A_376 = vector.shape_cast %swap3A_375 : vector<1x16xf32> to vector<16xf32>
      %swap3A_377 = vector.shape_cast %broadcast_in_dim3A_372 : vector<16xf32> to vector<1x16xf32>
      tpu.vector_store %arg3[%swap3A_373, %swap3A_374], %swap3A_377 {strides = array<i32>} : memref<32x1024xf32, #tpu.memory_space<vmem>>, vector<1x16xf32>,
      %broadcast_in_dim3A_378 = arith.constant 0.000000e+00 : f32
      %broadcast_in_dim3A_379 = vector.broadcast %broadcast_in_dim3A_378 : f32 to vector<16xf32>
      %swap3A_380 = arith.index_cast %scan3A_155 : i32 to index
      %swap3A_381 = arith.constant 512 : index
      %swap3A_382 = tpu.vector_load %arg3[%swap3A_380, %swap3A_381] {strides = array<i32>} : memref<32x1024xf32, #tpu.memory_space<vmem>>, vector<1x16xf32>,
      %swap3A_383 = vector.shape_cast %swap3A_382 : vector<1x16xf32> to vector<16xf32>
      %swap3A_384 = vector.shape_cast %broadcast_in_dim3A_379 : vector<16xf32> to vector<1x16xf32>
      tpu.vector_store %arg3[%swap3A_380, %swap3A_381], %swap3A_384 {strides = array<i32>} : memref<32x1024xf32, #tpu.memory_space<vmem>>, vector<1x16xf32>,
      %broadcast_in_dim3A_385 = arith.constant 0.000000e+00 : f32
      %broadcast_in_dim3A_386 = vector.broadcast %broadcast_in_dim3A_385 : f32 to vector<16xf32>
      %swap3A_387 = arith.index_cast %scan3A_155 : i32 to index
      %swap3A_388 = arith.constant 528 : index
      %swap3A_389 = tpu.vector_load %arg3[%swap3A_387, %swap3A_388] {strides = array<i32>} : memref<32x1024xf32, #tpu.memory_space<vmem>>, vector<1x16xf32>,
      %swap3A_390 = vector.shape_cast %swap3A_389 : vector<1x16xf32> to vector<16xf32>
      %swap3A_391 = vector.shape_cast %broadcast_in_dim3A_386 : vector<16xf32> to vector<1x16xf32>
      tpu.vector_store %arg3[%swap3A_387, %swap3A_388], %swap3A_391 {strides = array<i32>} : memref<32x1024xf32, #tpu.memory_space<vmem>>, vector<1x16xf32>,
      %broadcast_in_dim3A_392 = arith.constant 0.000000e+00 : f32
      %broadcast_in_dim3A_393 = vector.broadcast %broadcast_in_dim3A_392 : f32 to vector<16xf32>
      %swap3A_394 = arith.index_cast %scan3A_155 : i32 to index
      %swap3A_395 = arith.constant 544 : index
      %swap3A_396 = tpu.vector_load %arg3[%swap3A_394, %swap3A_395] {strides = array<i32>} : memref<32x1024xf32, #tpu.memory_space<vmem>>, vector<1x16xf32>,
      %swap3A_397 = vector.shape_cast %swap3A_396 : vector<1x16xf32> to vector<16xf32>
      %swap3A_398 = vector.shape_cast %broadcast_in_dim3A_393 : vector<16xf32> to vector<1x16xf32>
      tpu.vector_store %arg3[%swap3A_394, %swap3A_395], %swap3A_398 {strides = array<i32>} : memref<32x1024xf32, #tpu.memory_space<vmem>>, vector<1x16xf32>,
      %broadcast_in_dim3A_399 = arith.constant 0.000000e+00 : f32
      %broadcast_in_dim3A_400 = vector.broadcast %broadcast_in_dim3A_399 : f32 to vector<16xf32>
      %swap3A_401 = arith.index_cast %scan3A_155 : i32 to index
      %swap3A_402 = arith.constant 560 : index
      %swap3A_403 = tpu.vector_load %arg3[%swap3A_401, %swap3A_402] {strides = array<i32>} : memref<32x1024xf32, #tpu.memory_space<vmem>>, vector<1x16xf32>,
      %swap3A_404 = vector.shape_cast %swap3A_403 : vector<1x16xf32> to vector<16xf32>
      %swap3A_405 = vector.shape_cast %broadcast_in_dim3A_400 : vector<16xf32> to vector<1x16xf32>
      tpu.vector_store %arg3[%swap3A_401, %swap3A_402], %swap3A_405 {strides = array<i32>} : memref<32x1024xf32, #tpu.memory_space<vmem>>, vector<1x16xf32>,
      %broadcast_in_dim3A_406 = arith.constant 0.000000e+00 : f32
      %broadcast_in_dim3A_407 = vector.broadcast %broadcast_in_dim3A_406 : f32 to vector<16xf32>
      %swap3A_408 = arith.index_cast %scan3A_155 : i32 to index
      %swap3A_409 = arith.constant 576 : index
      %swap3A_410 = tpu.vector_load %arg3[%swap3A_408, %swap3A_409] {strides = array<i32>} : memref<32x1024xf32, #tpu.memory_space<vmem>>, vector<1x16xf32>,
      %swap3A_411 = vector.shape_cast %swap3A_410 : vector<1x16xf32> to vector<16xf32>
      %swap3A_412 = vector.shape_cast %broadcast_in_dim3A_407 : vector<16xf32> to vector<1x16xf32>
      tpu.vector_store %arg3[%swap3A_408, %swap3A_409], %swap3A_412 {strides = array<i32>} : memref<32x1024xf32, #tpu.memory_space<vmem>>, vector<1x16xf32>,
      %broadcast_in_dim3A_413 = arith.constant 0.000000e+00 : f32
      %broadcast_in_dim3A_414 = vector.broadcast %broadcast_in_dim3A_413 : f32 to vector<16xf32>
      %swap3A_415 = arith.index_cast %scan3A_155 : i32 to index
      %swap3A_416 = arith.constant 592 : index
      %swap3A_417 = tpu.vector_load %arg3[%swap3A_415, %swap3A_416] {strides = array<i32>} : memref<32x1024xf32, #tpu.memory_space<vmem>>, vector<1x16xf32>,
      %swap3A_418 = vector.shape_cast %swap3A_417 : vector<1x16xf32> to vector<16xf32>
      %swap3A_419 = vector.shape_cast %broadcast_in_dim3A_414 : vector<16xf32> to vector<1x16xf32>
      tpu.vector_store %arg3[%swap3A_415, %swap3A_416], %swap3A_419 {strides = array<i32>} : memref<32x1024xf32, #tpu.memory_space<vmem>>, vector<1x16xf32>,
      %broadcast_in_dim3A_420 = arith.constant 0.000000e+00 : f32
      %broadcast_in_dim3A_421 = vector.broadcast %broadcast_in_dim3A_420 : f32 to vector<16xf32>
      %swap3A_422 = arith.index_cast %scan3A_155 : i32 to index
      %swap3A_423 = arith.constant 608 : index
      %swap3A_424 = tpu.vector_load %arg3[%swap3A_422, %swap3A_423] {strides = array<i32>} : memref<32x1024xf32, #tpu.memory_space<vmem>>, vector<1x16xf32>,
      %swap3A_425 = vector.shape_cast %swap3A_424 : vector<1x16xf32> to vector<16xf32>
      %swap3A_426 = vector.shape_cast %broadcast_in_dim3A_421 : vector<16xf32> to vector<1x16xf32>
      tpu.vector_store %arg3[%swap3A_422, %swap3A_423], %swap3A_426 {strides = array<i32>} : memref<32x1024xf32, #tpu.memory_space<vmem>>, vector<1x16xf32>,
      %broadcast_in_dim3A_427 = arith.constant 0.000000e+00 : f32
      %broadcast_in_dim3A_428 = vector.broadcast %broadcast_in_dim3A_427 : f32 to vector<16xf32>
      %swap3A_429 = arith.index_cast %scan3A_155 : i32 to index
      %swap3A_430 = arith.constant 624 : index
      %swap3A_431 = tpu.vector_load %arg3[%swap3A_429, %swap3A_430] {strides = array<i32>} : memref<32x1024xf32, #tpu.memory_space<vmem>>, vector<1x16xf32>,
      %swap3A_432 = vector.shape_cast %swap3A_431 : vector<1x16xf32> to vector<16xf32>
      %swap3A_433 = vector.shape_cast %broadcast_in_dim3A_428 : vector<16xf32> to vector<1x16xf32>
      tpu.vector_store %arg3[%swap3A_429, %swap3A_430], %swap3A_433 {strides = array<i32>} : memref<32x1024xf32, #tpu.memory_space<vmem>>, vector<1x16xf32>,
      %broadcast_in_dim3A_434 = arith.constant 0.000000e+00 : f32
      %broadcast_in_dim3A_435 = vector.broadcast %broadcast_in_dim3A_434 : f32 to vector<16xf32>
      %swap3A_436 = arith.index_cast %scan3A_155 : i32 to index
      %swap3A_437 = arith.constant 640 : index
      %swap3A_438 = tpu.vector_load %arg3[%swap3A_436, %swap3A_437] {strides = array<i32>} : memref<32x1024xf32, #tpu.memory_space<vmem>>, vector<1x16xf32>,
      %swap3A_439 = vector.shape_cast %swap3A_438 : vector<1x16xf32> to vector<16xf32>
      %swap3A_440 = vector.shape_cast %broadcast_in_dim3A_435 : vector<16xf32> to vector<1x16xf32>
      tpu.vector_store %arg3[%swap3A_436, %swap3A_437], %swap3A_440 {strides = array<i32>} : memref<32x1024xf32, #tpu.memory_space<vmem>>, vector<1x16xf32>,
      %broadcast_in_dim3A_441 = arith.constant 0.000000e+00 : f32
      %broadcast_in_dim3A_442 = vector.broadcast %broadcast_in_dim3A_441 : f32 to vector<16xf32>
      %swap3A_443 = arith.index_cast %scan3A_155 : i32 to index
      %swap3A_444 = arith.constant 656 : index
      %swap3A_445 = tpu.vector_load %arg3[%swap3A_443, %swap3A_444] {strides = array<i32>} : memref<32x1024xf32, #tpu.memory_space<vmem>>, vector<1x16xf32>,
      %swap3A_446 = vector.shape_cast %swap3A_445 : vector<1x16xf32> to vector<16xf32>
      %swap3A_447 = vector.shape_cast %broadcast_in_dim3A_442 : vector<16xf32> to vector<1x16xf32>
      tpu.vector_store %arg3[%swap3A_443, %swap3A_444], %swap3A_447 {strides = array<i32>} : memref<32x1024xf32, #tpu.memory_space<vmem>>, vector<1x16xf32>,
      %broadcast_in_dim3A_448 = arith.constant 0.000000e+00 : f32
      %broadcast_in_dim3A_449 = vector.broadcast %broadcast_in_dim3A_448 : f32 to vector<16xf32>
      %swap3A_450 = arith.index_cast %scan3A_155 : i32 to index
      %swap3A_451 = arith.constant 672 : index
      %swap3A_452 = tpu.vector_load %arg3[%swap3A_450, %swap3A_451] {strides = array<i32>} : memref<32x1024xf32, #tpu.memory_space<vmem>>, vector<1x16xf32>,
      %swap3A_453 = vector.shape_cast %swap3A_452 : vector<1x16xf32> to vector<16xf32>
      %swap3A_454 = vector.shape_cast %broadcast_in_dim3A_449 : vector<16xf32> to vector<1x16xf32>
      tpu.vector_store %arg3[%swap3A_450, %swap3A_451], %swap3A_454 {strides = array<i32>} : memref<32x1024xf32, #tpu.memory_space<vmem>>, vector<1x16xf32>,
      %broadcast_in_dim3A_455 = arith.constant 0.000000e+00 : f32
      %broadcast_in_dim3A_456 = vector.broadcast %broadcast_in_dim3A_455 : f32 to vector<16xf32>
      %swap3A_457 = arith.index_cast %scan3A_155 : i32 to index
      %swap3A_458 = arith.constant 688 : index
      %swap3A_459 = tpu.vector_load %arg3[%swap3A_457, %swap3A_458] {strides = array<i32>} : memref<32x1024xf32, #tpu.memory_space<vmem>>, vector<1x16xf32>,
      %swap3A_460 = vector.shape_cast %swap3A_459 : vector<1x16xf32> to vector<16xf32>
      %swap3A_461 = vector.shape_cast %broadcast_in_dim3A_456 : vector<16xf32> to vector<1x16xf32>
      tpu.vector_store %arg3[%swap3A_457, %swap3A_458], %swap3A_461 {strides = array<i32>} : memref<32x1024xf32, #tpu.memory_space<vmem>>, vector<1x16xf32>,
      %broadcast_in_dim3A_462 = arith.constant 0.000000e+00 : f32
      %broadcast_in_dim3A_463 = vector.broadcast %broadcast_in_dim3A_462 : f32 to vector<16xf32>
      %swap3A_464 = arith.index_cast %scan3A_155 : i32 to index
      %swap3A_465 = arith.constant 704 : index
      %swap3A_466 = tpu.vector_load %arg3[%swap3A_464, %swap3A_465] {strides = array<i32>} : memref<32x1024xf32, #tpu.memory_space<vmem>>, vector<1x16xf32>,
      %swap3A_467 = vector.shape_cast %swap3A_466 : vector<1x16xf32> to vector<16xf32>
      %swap3A_468 = vector.shape_cast %broadcast_in_dim3A_463 : vector<16xf32> to vector<1x16xf32>
      tpu.vector_store %arg3[%swap3A_464, %swap3A_465], %swap3A_468 {strides = array<i32>} : memref<32x1024xf32, #tpu.memory_space<vmem>>, vector<1x16xf32>,
      %broadcast_in_dim3A_469 = arith.constant 0.000000e+00 : f32
      %broadcast_in_dim3A_470 = vector.broadcast %broadcast_in_dim3A_469 : f32 to vector<16xf32>
      %swap3A_471 = arith.index_cast %scan3A_155 : i32 to index
      %swap3A_472 = arith.constant 720 : index
      %swap3A_473 = tpu.vector_load %arg3[%swap3A_471, %swap3A_472] {strides = array<i32>} : memref<32x1024xf32, #tpu.memory_space<vmem>>, vector<1x16xf32>,
      %swap3A_474 = vector.shape_cast %swap3A_473 : vector<1x16xf32> to vector<16xf32>
      %swap3A_475 = vector.shape_cast %broadcast_in_dim3A_470 : vector<16xf32> to vector<1x16xf32>
      tpu.vector_store %arg3[%swap3A_471, %swap3A_472], %swap3A_475 {strides = array<i32>} : memref<32x1024xf32, #tpu.memory_space<vmem>>, vector<1x16xf32>,
      %broadcast_in_dim3A_476 = arith.constant 0.000000e+00 : f32
      %broadcast_in_dim3A_477 = vector.broadcast %broadcast_in_dim3A_476 : f32 to vector<16xf32>
      %swap3A_478 = arith.index_cast %scan3A_155 : i32 to index
      %swap3A_479 = arith.constant 736 : index
      %swap3A_480 = tpu.vector_load %arg3[%swap3A_478, %swap3A_479] {strides = array<i32>} : memref<32x1024xf32, #tpu.memory_space<vmem>>, vector<1x16xf32>,
      %swap3A_481 = vector.shape_cast %swap3A_480 : vector<1x16xf32> to vector<16xf32>
      %swap3A_482 = vector.shape_cast %broadcast_in_dim3A_477 : vector<16xf32> to vector<1x16xf32>
      tpu.vector_store %arg3[%swap3A_478, %swap3A_479], %swap3A_482 {strides = array<i32>} : memref<32x1024xf32, #tpu.memory_space<vmem>>, vector<1x16xf32>,
      %broadcast_in_dim3A_483 = arith.constant 0.000000e+00 : f32
      %broadcast_in_dim3A_484 = vector.broadcast %broadcast_in_dim3A_483 : f32 to vector<16xf32>
      %swap3A_485 = arith.index_cast %scan3A_155 : i32 to index
      %swap3A_486 = arith.constant 752 : index
      %swap3A_487 = tpu.vector_load %arg3[%swap3A_485, %swap3A_486] {strides = array<i32>} : memref<32x1024xf32, #tpu.memory_space<vmem>>, vector<1x16xf32>,
      %swap3A_488 = vector.shape_cast %swap3A_487 : vector<1x16xf32> to vector<16xf32>
      %swap3A_489 = vector.shape_cast %broadcast_in_dim3A_484 : vector<16xf32> to vector<1x16xf32>
      tpu.vector_store %arg3[%swap3A_485, %swap3A_486], %swap3A_489 {strides = array<i32>} : memref<32x1024xf32, #tpu.memory_space<vmem>>, vector<1x16xf32>,
      %broadcast_in_dim3A_490 = arith.constant 0.000000e+00 : f32
      %broadcast_in_dim3A_491 = vector.broadcast %broadcast_in_dim3A_490 : f32 to vector<16xf32>
      %swap3A_492 = arith.index_cast %scan3A_155 : i32 to index
      %swap3A_493 = arith.constant 768 : index
      %swap3A_494 = tpu.vector_load %arg3[%swap3A_492, %swap3A_493] {strides = array<i32>} : memref<32x1024xf32, #tpu.memory_space<vmem>>, vector<1x16xf32>,
      %swap3A_495 = vector.shape_cast %swap3A_494 : vector<1x16xf32> to vector<16xf32>
      %swap3A_496 = vector.shape_cast %broadcast_in_dim3A_491 : vector<16xf32> to vector<1x16xf32>
      tpu.vector_store %arg3[%swap3A_492, %swap3A_493], %swap3A_496 {strides = array<i32>} : memref<32x1024xf32, #tpu.memory_space<vmem>>, vector<1x16xf32>,
      %broadcast_in_dim3A_497 = arith.constant 0.000000e+00 : f32
      %broadcast_in_dim3A_498 = vector.broadcast %broadcast_in_dim3A_497 : f32 to vector<16xf32>
      %swap3A_499 = arith.index_cast %scan3A_155 : i32 to index
      %swap3A_500 = arith.constant 784 : index
      %swap3A_501 = tpu.vector_load %arg3[%swap3A_499, %swap3A_500] {strides = array<i32>} : memref<32x1024xf32, #tpu.memory_space<vmem>>, vector<1x16xf32>,
      %swap3A_502 = vector.shape_cast %swap3A_501 : vector<1x16xf32> to vector<16xf32>
      %swap3A_503 = vector.shape_cast %broadcast_in_dim3A_498 : vector<16xf32> to vector<1x16xf32>
      tpu.vector_store %arg3[%swap3A_499, %swap3A_500], %swap3A_503 {strides = array<i32>} : memref<32x1024xf32, #tpu.memory_space<vmem>>, vector<1x16xf32>,
      %broadcast_in_dim3A_504 = arith.constant 0.000000e+00 : f32
      %broadcast_in_dim3A_505 = vector.broadcast %broadcast_in_dim3A_504 : f32 to vector<16xf32>
      %swap3A_506 = arith.index_cast %scan3A_155 : i32 to index
      %swap3A_507 = arith.constant 800 : index
      %swap3A_508 = tpu.vector_load %arg3[%swap3A_506, %swap3A_507] {strides = array<i32>} : memref<32x1024xf32, #tpu.memory_space<vmem>>, vector<1x16xf32>,
      %swap3A_509 = vector.shape_cast %swap3A_508 : vector<1x16xf32> to vector<16xf32>
      %swap3A_510 = vector.shape_cast %broadcast_in_dim3A_505 : vector<16xf32> to vector<1x16xf32>
      tpu.vector_store %arg3[%swap3A_506, %swap3A_507], %swap3A_510 {strides = array<i32>} : memref<32x1024xf32, #tpu.memory_space<vmem>>, vector<1x16xf32>,
      %broadcast_in_dim3A_511 = arith.constant 0.000000e+00 : f32
      %broadcast_in_dim3A_512 = vector.broadcast %broadcast_in_dim3A_511 : f32 to vector<16xf32>
      %swap3A_513 = arith.index_cast %scan3A_155 : i32 to index
      %swap3A_514 = arith.constant 816 : index
      %swap3A_515 = tpu.vector_load %arg3[%swap3A_513, %swap3A_514] {strides = array<i32>} : memref<32x1024xf32, #tpu.memory_space<vmem>>, vector<1x16xf32>,
      %swap3A_516 = vector.shape_cast %swap3A_515 : vector<1x16xf32> to vector<16xf32>
      %swap3A_517 = vector.shape_cast %broadcast_in_dim3A_512 : vector<16xf32> to vector<1x16xf32>
      tpu.vector_store %arg3[%swap3A_513, %swap3A_514], %swap3A_517 {strides = array<i32>} : memref<32x1024xf32, #tpu.memory_space<vmem>>, vector<1x16xf32>,
      %broadcast_in_dim3A_518 = arith.constant 0.000000e+00 : f32
      %broadcast_in_dim3A_519 = vector.broadcast %broadcast_in_dim3A_518 : f32 to vector<16xf32>
      %swap3A_520 = arith.index_cast %scan3A_155 : i32 to index
      %swap3A_521 = arith.constant 832 : index
      %swap3A_522 = tpu.vector_load %arg3[%swap3A_520, %swap3A_521] {strides = array<i32>} : memref<32x1024xf32, #tpu.memory_space<vmem>>, vector<1x16xf32>,
      %swap3A_523 = vector.shape_cast %swap3A_522 : vector<1x16xf32> to vector<16xf32>
      %swap3A_524 = vector.shape_cast %broadcast_in_dim3A_519 : vector<16xf32> to vector<1x16xf32>
      tpu.vector_store %arg3[%swap3A_520, %swap3A_521], %swap3A_524 {strides = array<i32>} : memref<32x1024xf32, #tpu.memory_space<vmem>>, vector<1x16xf32>,
      %broadcast_in_dim3A_525 = arith.constant 0.000000e+00 : f32
      %broadcast_in_dim3A_526 = vector.broadcast %broadcast_in_dim3A_525 : f32 to vector<16xf32>
      %swap3A_527 = arith.index_cast %scan3A_155 : i32 to index
      %swap3A_528 = arith.constant 848 : index
      %swap3A_529 = tpu.vector_load %arg3[%swap3A_527, %swap3A_528] {strides = array<i32>} : memref<32x1024xf32, #tpu.memory_space<vmem>>, vector<1x16xf32>,
      %swap3A_530 = vector.shape_cast %swap3A_529 : vector<1x16xf32> to vector<16xf32>
      %swap3A_531 = vector.shape_cast %broadcast_in_dim3A_526 : vector<16xf32> to vector<1x16xf32>
      tpu.vector_store %arg3[%swap3A_527, %swap3A_528], %swap3A_531 {strides = array<i32>} : memref<32x1024xf32, #tpu.memory_space<vmem>>, vector<1x16xf32>,
      %broadcast_in_dim3A_532 = arith.constant 0.000000e+00 : f32
      %broadcast_in_dim3A_533 = vector.broadcast %broadcast_in_dim3A_532 : f32 to vector<16xf32>
      %swap3A_534 = arith.index_cast %scan3A_155 : i32 to index
      %swap3A_535 = arith.constant 864 : index
      %swap3A_536 = tpu.vector_load %arg3[%swap3A_534, %swap3A_535] {strides = array<i32>} : memref<32x1024xf32, #tpu.memory_space<vmem>>, vector<1x16xf32>,
      %swap3A_537 = vector.shape_cast %swap3A_536 : vector<1x16xf32> to vector<16xf32>
      %swap3A_538 = vector.shape_cast %broadcast_in_dim3A_533 : vector<16xf32> to vector<1x16xf32>
      tpu.vector_store %arg3[%swap3A_534, %swap3A_535], %swap3A_538 {strides = array<i32>} : memref<32x1024xf32, #tpu.memory_space<vmem>>, vector<1x16xf32>,
      %broadcast_in_dim3A_539 = arith.constant 0.000000e+00 : f32
      %broadcast_in_dim3A_540 = vector.broadcast %broadcast_in_dim3A_539 : f32 to vector<16xf32>
      %swap3A_541 = arith.index_cast %scan3A_155 : i32 to index
      %swap3A_542 = arith.constant 880 : index
      %swap3A_543 = tpu.vector_load %arg3[%swap3A_541, %swap3A_542] {strides = array<i32>} : memref<32x1024xf32, #tpu.memory_space<vmem>>, vector<1x16xf32>,
      %swap3A_544 = vector.shape_cast %swap3A_543 : vector<1x16xf32> to vector<16xf32>
      %swap3A_545 = vector.shape_cast %broadcast_in_dim3A_540 : vector<16xf32> to vector<1x16xf32>
      tpu.vector_store %arg3[%swap3A_541, %swap3A_542], %swap3A_545 {strides = array<i32>} : memref<32x1024xf32, #tpu.memory_space<vmem>>, vector<1x16xf32>,
      %broadcast_in_dim3A_546 = arith.constant 0.000000e+00 : f32
      %broadcast_in_dim3A_547 = vector.broadcast %broadcast_in_dim3A_546 : f32 to vector<16xf32>
      %swap3A_548 = arith.index_cast %scan3A_155 : i32 to index
      %swap3A_549 = arith.constant 896 : index
      %swap3A_550 = tpu.vector_load %arg3[%swap3A_548, %swap3A_549] {strides = array<i32>} : memref<32x1024xf32, #tpu.memory_space<vmem>>, vector<1x16xf32>,
      %swap3A_551 = vector.shape_cast %swap3A_550 : vector<1x16xf32> to vector<16xf32>
      %swap3A_552 = vector.shape_cast %broadcast_in_dim3A_547 : vector<16xf32> to vector<1x16xf32>
      tpu.vector_store %arg3[%swap3A_548, %swap3A_549], %swap3A_552 {strides = array<i32>} : memref<32x1024xf32, #tpu.memory_space<vmem>>, vector<1x16xf32>,
      %broadcast_in_dim3A_553 = arith.constant 0.000000e+00 : f32
      %broadcast_in_dim3A_554 = vector.broadcast %broadcast_in_dim3A_553 : f32 to vector<16xf32>
      %swap3A_555 = arith.index_cast %scan3A_155 : i32 to index
      %swap3A_556 = arith.constant 912 : index
      %swap3A_557 = tpu.vector_load %arg3[%swap3A_555, %swap3A_556] {strides = array<i32>} : memref<32x1024xf32, #tpu.memory_space<vmem>>, vector<1x16xf32>,
      %swap3A_558 = vector.shape_cast %swap3A_557 : vector<1x16xf32> to vector<16xf32>
      %swap3A_559 = vector.shape_cast %broadcast_in_dim3A_554 : vector<16xf32> to vector<1x16xf32>
      tpu.vector_store %arg3[%swap3A_555, %swap3A_556], %swap3A_559 {strides = array<i32>} : memref<32x1024xf32, #tpu.memory_space<vmem>>, vector<1x16xf32>,
      %broadcast_in_dim3A_560 = arith.constant 0.000000e+00 : f32
      %broadcast_in_dim3A_561 = vector.broadcast %broadcast_in_dim3A_560 : f32 to vector<16xf32>
      %swap3A_562 = arith.index_cast %scan3A_155 : i32 to index
      %swap3A_563 = arith.constant 928 : index
      %swap3A_564 = tpu.vector_load %arg3[%swap3A_562, %swap3A_563] {strides = array<i32>} : memref<32x1024xf32, #tpu.memory_space<vmem>>, vector<1x16xf32>,
      %swap3A_565 = vector.shape_cast %swap3A_564 : vector<1x16xf32> to vector<16xf32>
      %swap3A_566 = vector.shape_cast %broadcast_in_dim3A_561 : vector<16xf32> to vector<1x16xf32>
      tpu.vector_store %arg3[%swap3A_562, %swap3A_563], %swap3A_566 {strides = array<i32>} : memref<32x1024xf32, #tpu.memory_space<vmem>>, vector<1x16xf32>,
      %broadcast_in_dim3A_567 = arith.constant 0.000000e+00 : f32
      %broadcast_in_dim3A_568 = vector.broadcast %broadcast_in_dim3A_567 : f32 to vector<16xf32>
      %swap3A_569 = arith.index_cast %scan3A_155 : i32 to index
      %swap3A_570 = arith.constant 944 : index
      %swap3A_571 = tpu.vector_load %arg3[%swap3A_569, %swap3A_570] {strides = array<i32>} : memref<32x1024xf32, #tpu.memory_space<vmem>>, vector<1x16xf32>,
      %swap3A_572 = vector.shape_cast %swap3A_571 : vector<1x16xf32> to vector<16xf32>
      %swap3A_573 = vector.shape_cast %broadcast_in_dim3A_568 : vector<16xf32> to vector<1x16xf32>
      tpu.vector_store %arg3[%swap3A_569, %swap3A_570], %swap3A_573 {strides = array<i32>} : memref<32x1024xf32, #tpu.memory_space<vmem>>, vector<1x16xf32>,
      %broadcast_in_dim3A_574 = arith.constant 0.000000e+00 : f32
      %broadcast_in_dim3A_575 = vector.broadcast %broadcast_in_dim3A_574 : f32 to vector<16xf32>
      %swap3A_576 = arith.index_cast %scan3A_155 : i32 to index
      %swap3A_577 = arith.constant 960 : index
      %swap3A_578 = tpu.vector_load %arg3[%swap3A_576, %swap3A_577] {strides = array<i32>} : memref<32x1024xf32, #tpu.memory_space<vmem>>, vector<1x16xf32>,
      %swap3A_579 = vector.shape_cast %swap3A_578 : vector<1x16xf32> to vector<16xf32>
      %swap3A_580 = vector.shape_cast %broadcast_in_dim3A_575 : vector<16xf32> to vector<1x16xf32>
      tpu.vector_store %arg3[%swap3A_576, %swap3A_577], %swap3A_580 {strides = array<i32>} : memref<32x1024xf32, #tpu.memory_space<vmem>>, vector<1x16xf32>,
      %broadcast_in_dim3A_581 = arith.constant 0.000000e+00 : f32
      %broadcast_in_dim3A_582 = vector.broadcast %broadcast_in_dim3A_581 : f32 to vector<16xf32>
      %swap3A_583 = arith.index_cast %scan3A_155 : i32 to index
      %swap3A_584 = arith.constant 976 : index
      %swap3A_585 = tpu.vector_load %arg3[%swap3A_583, %swap3A_584] {strides = array<i32>} : memref<32x1024xf32, #tpu.memory_space<vmem>>, vector<1x16xf32>,
      %swap3A_586 = vector.shape_cast %swap3A_585 : vector<1x16xf32> to vector<16xf32>
      %swap3A_587 = vector.shape_cast %broadcast_in_dim3A_582 : vector<16xf32> to vector<1x16xf32>
      tpu.vector_store %arg3[%swap3A_583, %swap3A_584], %swap3A_587 {strides = array<i32>} : memref<32x1024xf32, #tpu.memory_space<vmem>>, vector<1x16xf32>,
      %broadcast_in_dim3A_588 = arith.constant 0.000000e+00 : f32
      %broadcast_in_dim3A_589 = vector.broadcast %broadcast_in_dim3A_588 : f32 to vector<16xf32>
      %swap3A_590 = arith.index_cast %scan3A_155 : i32 to index
      %swap3A_591 = arith.constant 992 : index
      %swap3A_592 = tpu.vector_load %arg3[%swap3A_590, %swap3A_591] {strides = array<i32>} : memref<32x1024xf32, #tpu.memory_space<vmem>>, vector<1x16xf32>,
      %swap3A_593 = vector.shape_cast %swap3A_592 : vector<1x16xf32> to vector<16xf32>
      %swap3A_594 = vector.shape_cast %broadcast_in_dim3A_589 : vector<16xf32> to vector<1x16xf32>
      tpu.vector_store %arg3[%swap3A_590, %swap3A_591], %swap3A_594 {strides = array<i32>} : memref<32x1024xf32, #tpu.memory_space<vmem>>, vector<1x16xf32>,
      %broadcast_in_dim3A_595 = arith.constant 0.000000e+00 : f32
      %broadcast_in_dim3A_596 = vector.broadcast %broadcast_in_dim3A_595 : f32 to vector<16xf32>
      %swap3A_597 = arith.index_cast %scan3A_155 : i32 to index
      %swap3A_598 = arith.constant 1008 : index
      %swap3A_599 = tpu.vector_load %arg3[%swap3A_597, %swap3A_598] {strides = array<i32>} : memref<32x1024xf32, #tpu.memory_space<vmem>>, vector<1x16xf32>,
      %swap3A_600 = vector.shape_cast %swap3A_599 : vector<1x16xf32> to vector<16xf32>
      %swap3A_601 = vector.shape_cast %broadcast_in_dim3A_596 : vector<16xf32> to vector<1x16xf32>
      tpu.vector_store %arg3[%swap3A_597, %swap3A_598], %swap3A_601 {strides = array<i32>} : memref<32x1024xf32, #tpu.memory_space<vmem>>, vector<1x16xf32>,
    }
    %scan3A_44 = arith.constant 32 : i32
    %add3A_45 = arith.constant 0 : i32
    %add3A_46 = arith.addi %select_n3A_39, %add3A_45 : i32
    %add3A_47 = arith.constant 32 : i32
    %add3A_48 = arith.addi %select_n3A_39, %add3A_47 : i32
    %add3A_49 = arith.constant 64 : i32
    %add3A_50 = arith.addi %select_n3A_39, %add3A_49 : i32
    %add3A_51 = arith.constant 96 : i32
    %add3A_52 = arith.addi %select_n3A_39, %add3A_51 : i32
    %add3A_53 = arith.constant 128 : i32
    %add3A_54 = arith.addi %select_n3A_39, %add3A_53 : i32
    %add3A_55 = arith.constant 160 : i32
    %add3A_56 = arith.addi %select_n3A_39, %add3A_55 : i32
    %add3A_57 = arith.constant 192 : i32
    %add3A_58 = arith.addi %select_n3A_39, %add3A_57 : i32
    %add3A_59 = arith.constant 224 : i32
    %add3A_60 = arith.addi %select_n3A_39, %add3A_59 : i32
    %dma_start3A = arith.constant 0 : i32
    %dma_start3A_61 = tpu.memref_slice %arg2[%select_n3A, %add3A_46, %dma_start3A] : memref<4x4096x1024xf32, #tpu.memory_space<hbm>> -> memref<1x32x1024xf32, #tpu.memory_space<hbm>>
    %dma_start3A_62 = tpu.memref_squeeze %dma_start3A_61 : memref<1x32x1024xf32, #tpu.memory_space<hbm>> -> memref<32x1024xf32, #tpu.memory_space<hbm>>
    %dma_start3A_63 = arith.constant 0 : i32
    %dma_start3A_64 = tpu.memref_slice %arg2[%select_n3A, %add3A_46, %dma_start3A_63] : memref<4x4096x1024xf32, #tpu.memory_space<hbm>> -> memref<1x32x1024xf32, #tpu.memory_space<hbm>>
    %dma_start3A_65 = tpu.memref_squeeze %dma_start3A_64 : memref<1x32x1024xf32, #tpu.memory_space<hbm>> -> memref<32x1024xf32, #tpu.memory_space<hbm>>
    tpu.enqueue_dma source(%arg3 : memref<32x1024xf32, #tpu.memory_space<vmem>>) target(%dma_start3A_65 : memref<32x1024xf32, #tpu.memory_space<hbm>>) target_semaphore(%arg4 : memref<!tpu.dma_semaphore, #tpu.memory_space<semaphore_mem>>)
    %dma_start3A_66 = arith.constant 0 : i32
    %dma_start3A_67 = tpu.memref_slice %arg2[%select_n3A, %add3A_48, %dma_start3A_66] : memref<4x4096x1024xf32, #tpu.memory_space<hbm>> -> memref<1x32x1024xf32, #tpu.memory_space<hbm>>
    %dma_start3A_68 = tpu.memref_squeeze %dma_start3A_67 : memref<1x32x1024xf32, #tpu.memory_space<hbm>> -> memref<32x1024xf32, #tpu.memory_space<hbm>>
    %dma_start3A_69 = arith.constant 0 : i32
    %dma_start3A_70 = tpu.memref_slice %arg2[%select_n3A, %add3A_48, %dma_start3A_69] : memref<4x4096x1024xf32, #tpu.memory_space<hbm>> -> memref<1x32x1024xf32, #tpu.memory_space<hbm>>
    %dma_start3A_71 = tpu.memref_squeeze %dma_start3A_70 : memref<1x32x1024xf32, #tpu.memory_space<hbm>> -> memref<32x1024xf32, #tpu.memory_space<hbm>>
    tpu.enqueue_dma source(%arg3 : memref<32x1024xf32, #tpu.memory_space<vmem>>) target(%dma_start3A_71 : memref<32x1024xf32, #tpu.memory_space<hbm>>) target_semaphore(%arg4 : memref<!tpu.dma_semaphore, #tpu.memory_space<semaphore_mem>>)
    %dma_start3A_72 = arith.constant 0 : i32
    %dma_start3A_73 = tpu.memref_slice %arg2[%select_n3A, %add3A_50, %dma_start3A_72] : memref<4x4096x1024xf32, #tpu.memory_space<hbm>> -> memref<1x32x1024xf32, #tpu.memory_space<hbm>>
    %dma_start3A_74 = tpu.memref_squeeze %dma_start3A_73 : memref<1x32x1024xf32, #tpu.memory_space<hbm>> -> memref<32x1024xf32, #tpu.memory_space<hbm>>
    %dma_start3A_75 = arith.constant 0 : i32
    %dma_start3A_76 = tpu.memref_slice %arg2[%select_n3A, %add3A_50, %dma_start3A_75] : memref<4x4096x1024xf32, #tpu.memory_space<hbm>> -> memref<1x32x1024xf32, #tpu.memory_space<hbm>>
    %dma_start3A_77 = tpu.memref_squeeze %dma_start3A_76 : memref<1x32x1024xf32, #tpu.memory_space<hbm>> -> memref<32x1024xf32, #tpu.memory_space<hbm>>
    tpu.enqueue_dma source(%arg3 : memref<32x1024xf32, #tpu.memory_space<vmem>>) target(%dma_start3A_77 : memref<32x1024xf32, #tpu.memory_space<hbm>>) target_semaphore(%arg4 : memref<!tpu.dma_semaphore, #tpu.memory_space<semaphore_mem>>)
    %dma_start3A_78 = arith.constant 0 : i32
    %dma_start3A_79 = tpu.memref_slice %arg2[%select_n3A, %add3A_52, %dma_start3A_78] : memref<4x4096x1024xf32, #tpu.memory_space<hbm>> -> memref<1x32x1024xf32, #tpu.memory_space<hbm>>
    %dma_start3A_80 = tpu.memref_squeeze %dma_start3A_79 : memref<1x32x1024xf32, #tpu.memory_space<hbm>> -> memref<32x1024xf32, #tpu.memory_space<hbm>>
    %dma_start3A_81 = arith.constant 0 : i32
    %dma_start3A_82 = tpu.memref_slice %arg2[%select_n3A, %add3A_52, %dma_start3A_81] : memref<4x4096x1024xf32, #tpu.memory_space<hbm>> -> memref<1x32x1024xf32, #tpu.memory_space<hbm>>
    %dma_start3A_83 = tpu.memref_squeeze %dma_start3A_82 : memref<1x32x1024xf32, #tpu.memory_space<hbm>> -> memref<32x1024xf32, #tpu.memory_space<hbm>>
    tpu.enqueue_dma source(%arg3 : memref<32x1024xf32, #tpu.memory_space<vmem>>) target(%dma_start3A_83 : memref<32x1024xf32, #tpu.memory_space<hbm>>) target_semaphore(%arg4 : memref<!tpu.dma_semaphore, #tpu.memory_space<semaphore_mem>>)
    %dma_start3A_84 = arith.constant 0 : i32
    %dma_start3A_85 = tpu.memref_slice %arg2[%select_n3A, %add3A_54, %dma_start3A_84] : memref<4x4096x1024xf32, #tpu.memory_space<hbm>> -> memref<1x32x1024xf32, #tpu.memory_space<hbm>>
    %dma_start3A_86 = tpu.memref_squeeze %dma_start3A_85 : memref<1x32x1024xf32, #tpu.memory_space<hbm>> -> memref<32x1024xf32, #tpu.memory_space<hbm>>
    %dma_start3A_87 = arith.constant 0 : i32
    %dma_start3A_88 = tpu.memref_slice %arg2[%select_n3A, %add3A_54, %dma_start3A_87] : memref<4x4096x1024xf32, #tpu.memory_space<hbm>> -> memref<1x32x1024xf32, #tpu.memory_space<hbm>>
    %dma_start3A_89 = tpu.memref_squeeze %dma_start3A_88 : memref<1x32x1024xf32, #tpu.memory_space<hbm>> -> memref<32x1024xf32, #tpu.memory_space<hbm>>
    tpu.enqueue_dma source(%arg3 : memref<32x1024xf32, #tpu.memory_space<vmem>>) target(%dma_start3A_89 : memref<32x1024xf32, #tpu.memory_space<hbm>>) target_semaphore(%arg4 : memref<!tpu.dma_semaphore, #tpu.memory_space<semaphore_mem>>)
    %dma_start3A_90 = arith.constant 0 : i32
    %dma_start3A_91 = tpu.memref_slice %arg2[%select_n3A, %add3A_56, %dma_start3A_90] : memref<4x4096x1024xf32, #tpu.memory_space<hbm>> -> memref<1x32x1024xf32, #tpu.memory_space<hbm>>
    %dma_start3A_92 = tpu.memref_squeeze %dma_start3A_91 : memref<1x32x1024xf32, #tpu.memory_space<hbm>> -> memref<32x1024xf32, #tpu.memory_space<hbm>>
    %dma_start3A_93 = arith.constant 0 : i32
    %dma_start3A_94 = tpu.memref_slice %arg2[%select_n3A, %add3A_56, %dma_start3A_93] : memref<4x4096x1024xf32, #tpu.memory_space<hbm>> -> memref<1x32x1024xf32, #tpu.memory_space<hbm>>
    %dma_start3A_95 = tpu.memref_squeeze %dma_start3A_94 : memref<1x32x1024xf32, #tpu.memory_space<hbm>> -> memref<32x1024xf32, #tpu.memory_space<hbm>>
    tpu.enqueue_dma source(%arg3 : memref<32x1024xf32, #tpu.memory_space<vmem>>) target(%dma_start3A_95 : memref<32x1024xf32, #tpu.memory_space<hbm>>) target_semaphore(%arg4 : memref<!tpu.dma_semaphore, #tpu.memory_space<semaphore_mem>>)
    %dma_start3A_96 = arith.constant 0 : i32
    %dma_start3A_97 = tpu.memref_slice %arg2[%select_n3A, %add3A_58, %dma_start3A_96] : memref<4x4096x1024xf32, #tpu.memory_space<hbm>> -> memref<1x32x1024xf32, #tpu.memory_space<hbm>>
    %dma_start3A_98 = tpu.memref_squeeze %dma_start3A_97 : memref<1x32x1024xf32, #tpu.memory_space<hbm>> -> memref<32x1024xf32, #tpu.memory_space<hbm>>
    %dma_start3A_99 = arith.constant 0 : i32
    %dma_start3A_100 = tpu.memref_slice %arg2[%select_n3A, %add3A_58, %dma_start3A_99] : memref<4x4096x1024xf32, #tpu.memory_space<hbm>> -> memref<1x32x1024xf32, #tpu.memory_space<hbm>>
    %dma_start3A_101 = tpu.memref_squeeze %dma_start3A_100 : memref<1x32x1024xf32, #tpu.memory_space<hbm>> -> memref<32x1024xf32, #tpu.memory_space<hbm>>
    tpu.enqueue_dma source(%arg3 : memref<32x1024xf32, #tpu.memory_space<vmem>>) target(%dma_start3A_101 : memref<32x1024xf32, #tpu.memory_space<hbm>>) target_semaphore(%arg4 : memref<!tpu.dma_semaphore, #tpu.memory_space<semaphore_mem>>)
    %dma_start3A_102 = arith.constant 0 : i32
    %dma_start3A_103 = tpu.memref_slice %arg2[%select_n3A, %add3A_60, %dma_start3A_102] : memref<4x4096x1024xf32, #tpu.memory_space<hbm>> -> memref<1x32x1024xf32, #tpu.memory_space<hbm>>
    %dma_start3A_104 = tpu.memref_squeeze %dma_start3A_103 : memref<1x32x1024xf32, #tpu.memory_space<hbm>> -> memref<32x1024xf32, #tpu.memory_space<hbm>>
    %dma_start3A_105 = arith.constant 0 : i32
    %dma_start3A_106 = tpu.memref_slice %arg2[%select_n3A, %add3A_60, %dma_start3A_105] : memref<4x4096x1024xf32, #tpu.memory_space<hbm>> -> memref<1x32x1024xf32, #tpu.memory_space<hbm>>
    %dma_start3A_107 = tpu.memref_squeeze %dma_start3A_106 : memref<1x32x1024xf32, #tpu.memory_space<hbm>> -> memref<32x1024xf32, #tpu.memory_space<hbm>>
    tpu.enqueue_dma source(%arg3 : memref<32x1024xf32, #tpu.memory_space<vmem>>) target(%dma_start3A_107 : memref<32x1024xf32, #tpu.memory_space<hbm>>) target_semaphore(%arg4 : memref<!tpu.dma_semaphore, #tpu.memory_space<semaphore_mem>>)
    %dma_wait3A = arith.constant 0 : i32
    %dma_wait3A_108 = tpu.memref_slice %arg2[%select_n3A, %add3A_46, %dma_wait3A] : memref<4x4096x1024xf32, #tpu.memory_space<hbm>> -> memref<1x32x1024xf32, #tpu.memory_space<hbm>>
    %dma_wait3A_109 = tpu.memref_squeeze %dma_wait3A_108 : memref<1x32x1024xf32, #tpu.memory_space<hbm>> -> memref<32x1024xf32, #tpu.memory_space<hbm>>
    %dma_wait3A_110 = arith.constant 0 : i32
    %dma_wait3A_111 = tpu.memref_slice %arg2[%select_n3A, %add3A_46, %dma_wait3A_110] : memref<4x4096x1024xf32, #tpu.memory_space<hbm>> -> memref<1x32x1024xf32, #tpu.memory_space<hbm>>
    %dma_wait3A_112 = tpu.memref_squeeze %dma_wait3A_111 : memref<1x32x1024xf32, #tpu.memory_space<hbm>> -> memref<32x1024xf32, #tpu.memory_space<hbm>>
    tpu.wait_dma2 semaphore(%arg4 : memref<!tpu.dma_semaphore, #tpu.memory_space<semaphore_mem>>) src(%arg3 : memref<32x1024xf32, #tpu.memory_space<vmem>>) dst(%dma_wait3A_112 : memref<32x1024xf32, #tpu.memory_space<hbm>>)
    %dma_wait3A_113 = arith.constant 0 : i32
    %dma_wait3A_114 = tpu.memref_slice %arg2[%select_n3A, %add3A_48, %dma_wait3A_113] : memref<4x4096x1024xf32, #tpu.memory_space<hbm>> -> memref<1x32x1024xf32, #tpu.memory_space<hbm>>
    %dma_wait3A_115 = tpu.memref_squeeze %dma_wait3A_114 : memref<1x32x1024xf32, #tpu.memory_space<hbm>> -> memref<32x1024xf32, #tpu.memory_space<hbm>>
    %dma_wait3A_116 = arith.constant 0 : i32
    %dma_wait3A_117 = tpu.memref_slice %arg2[%select_n3A, %add3A_48, %dma_wait3A_116] : memref<4x4096x1024xf32, #tpu.memory_space<hbm>> -> memref<1x32x1024xf32, #tpu.memory_space<hbm>>
    %dma_wait3A_118 = tpu.memref_squeeze %dma_wait3A_117 : memref<1x32x1024xf32, #tpu.memory_space<hbm>> -> memref<32x1024xf32, #tpu.memory_space<hbm>>
    tpu.wait_dma2 semaphore(%arg4 : memref<!tpu.dma_semaphore, #tpu.memory_space<semaphore_mem>>) src(%arg3 : memref<32x1024xf32, #tpu.memory_space<vmem>>) dst(%dma_wait3A_118 : memref<32x1024xf32, #tpu.memory_space<hbm>>)
    %dma_wait3A_119 = arith.constant 0 : i32
    %dma_wait3A_120 = tpu.memref_slice %arg2[%select_n3A, %add3A_50, %dma_wait3A_119] : memref<4x4096x1024xf32, #tpu.memory_space<hbm>> -> memref<1x32x1024xf32, #tpu.memory_space<hbm>>
    %dma_wait3A_121 = tpu.memref_squeeze %dma_wait3A_120 : memref<1x32x1024xf32, #tpu.memory_space<hbm>> -> memref<32x1024xf32, #tpu.memory_space<hbm>>
    %dma_wait3A_122 = arith.constant 0 : i32
    %dma_wait3A_123 = tpu.memref_slice %arg2[%select_n3A, %add3A_50, %dma_wait3A_122] : memref<4x4096x1024xf32, #tpu.memory_space<hbm>> -> memref<1x32x1024xf32, #tpu.memory_space<hbm>>
    %dma_wait3A_124 = tpu.memref_squeeze %dma_wait3A_123 : memref<1x32x1024xf32, #tpu.memory_space<hbm>> -> memref<32x1024xf32, #tpu.memory_space<hbm>>
    tpu.wait_dma2 semaphore(%arg4 : memref<!tpu.dma_semaphore, #tpu.memory_space<semaphore_mem>>) src(%arg3 : memref<32x1024xf32, #tpu.memory_space<vmem>>) dst(%dma_wait3A_124 : memref<32x1024xf32, #tpu.memory_space<hbm>>)
    %dma_wait3A_125 = arith.constant 0 : i32
    %dma_wait3A_126 = tpu.memref_slice %arg2[%select_n3A, %add3A_52, %dma_wait3A_125] : memref<4x4096x1024xf32, #tpu.memory_space<hbm>> -> memref<1x32x1024xf32, #tpu.memory_space<hbm>>
    %dma_wait3A_127 = tpu.memref_squeeze %dma_wait3A_126 : memref<1x32x1024xf32, #tpu.memory_space<hbm>> -> memref<32x1024xf32, #tpu.memory_space<hbm>>
    %dma_wait3A_128 = arith.constant 0 : i32
    %dma_wait3A_129 = tpu.memref_slice %arg2[%select_n3A, %add3A_52, %dma_wait3A_128] : memref<4x4096x1024xf32, #tpu.memory_space<hbm>> -> memref<1x32x1024xf32, #tpu.memory_space<hbm>>
    %dma_wait3A_130 = tpu.memref_squeeze %dma_wait3A_129 : memref<1x32x1024xf32, #tpu.memory_space<hbm>> -> memref<32x1024xf32, #tpu.memory_space<hbm>>
    tpu.wait_dma2 semaphore(%arg4 : memref<!tpu.dma_semaphore, #tpu.memory_space<semaphore_mem>>) src(%arg3 : memref<32x1024xf32, #tpu.memory_space<vmem>>) dst(%dma_wait3A_130 : memref<32x1024xf32, #tpu.memory_space<hbm>>)
    %dma_wait3A_131 = arith.constant 0 : i32
    %dma_wait3A_132 = tpu.memref_slice %arg2[%select_n3A, %add3A_54, %dma_wait3A_131] : memref<4x4096x1024xf32, #tpu.memory_space<hbm>> -> memref<1x32x1024xf32, #tpu.memory_space<hbm>>
    %dma_wait3A_133 = tpu.memref_squeeze %dma_wait3A_132 : memref<1x32x1024xf32, #tpu.memory_space<hbm>> -> memref<32x1024xf32, #tpu.memory_space<hbm>>
    %dma_wait3A_134 = arith.constant 0 : i32
    %dma_wait3A_135 = tpu.memref_slice %arg2[%select_n3A, %add3A_54, %dma_wait3A_134] : memref<4x4096x1024xf32, #tpu.memory_space<hbm>> -> memref<1x32x1024xf32, #tpu.memory_space<hbm>>
    %dma_wait3A_136 = tpu.memref_squeeze %dma_wait3A_135 : memref<1x32x1024xf32, #tpu.memory_space<hbm>> -> memref<32x1024xf32, #tpu.memory_space<hbm>>
    tpu.wait_dma2 semaphore(%arg4 : memref<!tpu.dma_semaphore, #tpu.memory_space<semaphore_mem>>) src(%arg3 : memref<32x1024xf32, #tpu.memory_space<vmem>>) dst(%dma_wait3A_136 : memref<32x1024xf32, #tpu.memory_space<hbm>>)
    %dma_wait3A_137 = arith.constant 0 : i32
    %dma_wait3A_138 = tpu.memref_slice %arg2[%select_n3A, %add3A_56, %dma_wait3A_137] : memref<4x4096x1024xf32, #tpu.memory_space<hbm>> -> memref<1x32x1024xf32, #tpu.memory_space<hbm>>
    %dma_wait3A_139 = tpu.memref_squeeze %dma_wait3A_138 : memref<1x32x1024xf32, #tpu.memory_space<hbm>> -> memref<32x1024xf32, #tpu.memory_space<hbm>>
    %dma_wait3A_140 = arith.constant 0 : i32
    %dma_wait3A_141 = tpu.memref_slice %arg2[%select_n3A, %add3A_56, %dma_wait3A_140] : memref<4x4096x1024xf32, #tpu.memory_space<hbm>> -> memref<1x32x1024xf32, #tpu.memory_space<hbm>>
    %dma_wait3A_142 = tpu.memref_squeeze %dma_wait3A_141 : memref<1x32x1024xf32, #tpu.memory_space<hbm>> -> memref<32x1024xf32, #tpu.memory_space<hbm>>
    tpu.wait_dma2 semaphore(%arg4 : memref<!tpu.dma_semaphore, #tpu.memory_space<semaphore_mem>>) src(%arg3 : memref<32x1024xf32, #tpu.memory_space<vmem>>) dst(%dma_wait3A_142 : memref<32x1024xf32, #tpu.memory_space<hbm>>)
    %dma_wait3A_143 = arith.constant 0 : i32
    %dma_wait3A_144 = tpu.memref_slice %arg2[%select_n3A, %add3A_58, %dma_wait3A_143] : memref<4x4096x1024xf32, #tpu.memory_space<hbm>> -> memref<1x32x1024xf32, #tpu.memory_space<hbm>>
    %dma_wait3A_145 = tpu.memref_squeeze %dma_wait3A_144 : memref<1x32x1024xf32, #tpu.memory_space<hbm>> -> memref<32x1024xf32, #tpu.memory_space<hbm>>
    %dma_wait3A_146 = arith.constant 0 : i32
    %dma_wait3A_147 = tpu.memref_slice %arg2[%select_n3A, %add3A_58, %dma_wait3A_146] : memref<4x4096x1024xf32, #tpu.memory_space<hbm>> -> memref<1x32x1024xf32, #tpu.memory_space<hbm>>
    %dma_wait3A_148 = tpu.memref_squeeze %dma_wait3A_147 : memref<1x32x1024xf32, #tpu.memory_space<hbm>> -> memref<32x1024xf32, #tpu.memory_space<hbm>>
    tpu.wait_dma2 semaphore(%arg4 : memref<!tpu.dma_semaphore, #tpu.memory_space<semaphore_mem>>) src(%arg3 : memref<32x1024xf32, #tpu.memory_space<vmem>>) dst(%dma_wait3A_148 : memref<32x1024xf32, #tpu.memory_space<hbm>>)
    %dma_wait3A_149 = arith.constant 0 : i32
    %dma_wait3A_150 = tpu.memref_slice %arg2[%select_n3A, %add3A_60, %dma_wait3A_149] : memref<4x4096x1024xf32, #tpu.memory_space<hbm>> -> memref<1x32x1024xf32, #tpu.memory_space<hbm>>
    %dma_wait3A_151 = tpu.memref_squeeze %dma_wait3A_150 : memref<1x32x1024xf32, #tpu.memory_space<hbm>> -> memref<32x1024xf32, #tpu.memory_space<hbm>>
    %dma_wait3A_152 = arith.constant 0 : i32
    %dma_wait3A_153 = tpu.memref_slice %arg2[%select_n3A, %add3A_60, %dma_wait3A_152] : memref<4x4096x1024xf32, #tpu.memory_space<hbm>> -> memref<1x32x1024xf32, #tpu.memory_space<hbm>>
    %dma_wait3A_154 = tpu.memref_squeeze %dma_wait3A_153 : memref<1x32x1024xf32, #tpu.memory_space<hbm>> -> memref<32x1024xf32, #tpu.memory_space<hbm>>
    tpu.wait_dma2 semaphore(%arg4 : memref<!tpu.dma_semaphore, #tpu.memory_space<semaphore_mem>>) src(%arg3 : memref<32x1024xf32, #tpu.memory_space<vmem>>) dst(%dma_wait3A_154 : memref<32x1024xf32, #tpu.memory_space<hbm>>)
    return
  }
}

module attributes {stable_mosaic.version = 14 : i64} {
  func.func @_tc_window_body(%arg0: i32, %arg1: i32, %arg2: memref<1x512x1024xf32, #tpu.memory_space<vmem>>, %arg3: memref<4x4096x1024xf32, #tpu.memory_space<hbm>>, %arg4: memref<1x512x1024xf32, #tpu.memory_space<vmem>>) attributes {dimension_semantics = [#tpu.dimension_semantics<parallel>, #tpu.dimension_semantics<arbitrary>], iteration_bounds = array<i64: 4, 4>, scalar_prefetch = 0 : i64, scratch_operands = 0 : i64, tpu.core_type = #tpu.core_type<tc>, window_params = [{transform_indices = @transform_0, window_bounds = array<i64: 1, 512, 1024>}, {}, {transform_indices = @transform_2, window_bounds = array<i64: 1, 512, 1024>}]} {
    %get3A = arith.constant 0 : index
    %get3A_0 = arith.constant 0 : index
    %get3A_1 = arith.constant 0 : index
    %get3A_2 = vector.load %arg2[%get3A, %get3A_0, %get3A_1] : memref<1x512x1024xf32, #tpu.memory_space<vmem>>, vector<1x512x1024xf32>
    %swap3A = arith.constant 0 : index
    %swap3A_3 = arith.constant 0 : index
    %swap3A_4 = arith.constant 0 : index
    %swap3A_5 = vector.load %arg4[%swap3A, %swap3A_3, %swap3A_4] : memref<1x512x1024xf32, #tpu.memory_space<vmem>>, vector<1x512x1024xf32>
    tpu.vector_store %arg4[%swap3A, %swap3A_3, %swap3A_4], %get3A_2 {strides = array<i32>} : memref<1x512x1024xf32, #tpu.memory_space<vmem>>, vector<1x512x1024xf32>,
    return
  }
  func.func @transform_0(%arg0: i32, %arg1: i32) -> (i32, i32, i32) {
    %c0_i32 = arith.constant 0 : i32
    %c0_i32_0 = arith.constant 0 : i32
    return %arg0, %arg1, %c0_i32 : i32, i32, i32
  }
  func.func @transform_2(%arg0: i32, %arg1: i32) -> (i32, i32, i32) {
    %add3A = arith.constant 1 : i32
    %add3A_0 = arith.addi %arg1, %add3A : i32
    %c0_i32 = arith.constant 0 : i32
    %c0_i32_1 = arith.constant 0 : i32
    return %arg0, %add3A_0, %c0_i32 : i32, i32, i32
  }
}

</mosaic_0001>

<sc_bundles>
// kernel: kernel.4.cloned.1.call-start
scs
__scs_entry_jumppad:
0x0: {  	(pc) =	sbr.rel $0x88, $3  }
0x1: {  	(tag) =	ssettag $0x0;
	lr =	simm.s32 $0x1  }
0x2: {  	[smem:$0x3FA0] =	sst lr;
	_ =	strace $0xD0000000  }
0x3: {  	_ = 	snop  }
0x4: {  	_ = 	snop  }
0x5: {  	_ = 	snop  }
0x6: {  	_ = 	snop  }
0x7: {  	_ = 	snop  }
__scs_overlays_trampoline_lowered:
0x8: {  	[smem:$0x3FAF] =	sst s0  }
0x9: {  	[smem:$0x3FB0] =	sst s1  }
0xa: {  	[smem:$0x3FB1] =	sst s2  }
0xb: {  	[smem:$0x3FB2] =	sst s3  }
0xc: {  	[smem:$0x3FB3] =	sst s4  }
0xd: {  	[smem:$0x3FB4] =	sst s5  }
0xe: {  	[smem:$0x3FB5] =	sst s6  }
0xf: {  	[smem:$0x3FB6] =	sst s7  }
0x10: {  	[smem:$0x3FB7] =	sst s8  }
0x11: {  	[smem:$0x3FB8] =	sst s9;
	s0 =	simm.s32 @!p0 $0x0  }
0x12: {  	s1 =	sld [smem:$0x3F9E];
	s0 =	simm.s32 @p0 $0x1  }
0x13: {  	[smem:$0x3FB9] =	sst s0;
	s0 =	simm.s32 @!p1 $0x0  }
0x14: {  	s2 =	sld [smem:$0x3F9D];
	s0 =	simm.s32 @p1 $0x1  }
0x15: {  	[smem:$0x3FBA] =	sst s0;
	s0 =	simm.s32 @!p2 $0x0  }
0x16: {  	s3 =	sld [smem:$0x3FDB];
	s0 =	simm.s32 @p2 $0x1  }
0x17: {  	s4 =	simm.s32 $0x1BF5;
	[smem:$0x3FBC] =	sst s0  }
0x18: {  	s0 =	sld [smem:$0x3F9F];
	_ =	swait.ge [sflag:s4], $0x0  }
0x19: {  	s7 =	sld [smem:$0x3FA0]  }
0x1a: {  	s8 =	sadd.s32 $0xFFFFE003, lr  }
0x1b: {  	s9 =	sadd.s32 $0xFFFFFEF7, lr;
	s5 =	simm.s32 $0xFFFFFFFF;
	p2 =	slt.u32 s8, $0xFFFFF086  }
0x1c: {  	p1 =	slt.u32 s9, $0xF7A;
	s5 =	simm.s32 @!p2 $0x0  }
0x1d: {  	s5 =	simm.s32 @p1 $0x1;
	p0 =	seq.s32 s7, s2  }
0x1e: {  	s7 =	smul.u32 @!p0 $0xF7A, s2;
	p2 =	seq.s32 @!p0 s5, $0x0  }
0x1f: {  	s9 =	smul.u32 $0xF7A, s1;
	s8 =	simm.s32 @!p0 $0x1BF5;
	p2 =	por !p2, p0  }
0x20: {  	[sflag:s8] =	ssyncset.s32 @!p0 $0xFFFFF086;
	s6 =	sadd.s32 @!p0 s3, s7;
	s7 =	simm.s32 @!p0 $0x108  }
0x21: {  	s3 =	sadd.s32 s3, s9;
	s6 =	sadd.s32 @!p0 $0x88, s6;
	s7 =	simm.s32 @p2 $0x1082  }
0x22: {  	[simem:s7], [sflag:s8] =	dma.local @!p0 [hbm:s6], $0xF7A  }
0x23: {  	s9 =	sor.u32 $0xD0000000, s2;
	s6 =	simm.s32 $0x108;
	_ =	swait.ge @!p0 [sflag:s8], $0x0  }
0x24: {  	s3 =	sadd.s32 $0x88, s3;
	s6 =	simm.s32 @!p1 $0x1082;
	[sflag:s4] =	ssyncset.s32 $0xFFFFF086  }
0x25: {  	[simem:s6], [sflag:s4] =	dma.local [hbm:s3], $0xF7A  }
0x26: {  	[smem:$0x3FA0] =	sst s1;
	(tag) =	ssettag s2;
	_ =	strace s9  }
0x27: {  	s1 =	sld [smem:$0x3FB0]  }
0x28: {  	s2 =	sld [smem:$0x3FB1]  }
0x29: {  	s4 =	sld [smem:$0x3FB3]  }
0x2a: {  	p0 =	seq.s32 s5, $0x0;
	s5 =	sld [smem:$0x3FB4]  }
0x2b: {  	s6 =	sld [smem:$0x3FB5]  }
0x2c: {  	s7 =	sld [smem:$0x3FB6]  }
0x2d: {  	s3 =	simm.s32 $0x108;
	s8 =	sld [smem:$0x3FB7]  }
0x2e: {  	s3 =	simm.s32 @!p0 $0x1082;
	s9 =	sld [smem:$0x3FB8]  }
0x2f: {  	lr =	sadd.s32 s0, s3;
	s0 =	sld [smem:$0x3FAF]  }
0x30: {  	s3 =	sld [smem:$0x3FB2]  }
0x31: {  	[smem:$0x3FBB] =	sst s10  }
0x32: {  	s10 =	sld [smem:$0x3FB9];
	_ =	sdelay $0x3  }
0x33: {  	p0 =	seq.s32 s10, $0x1;
	s10 =	sld [smem:$0x3FBB];
	_ =	sdelay $0x3  }
0x34: {  	[smem:$0x3FBB] =	sst s10  }
0x35: {  	s10 =	sld [smem:$0x3FBA];
	_ =	sdelay $0x3  }
0x36: {  	p1 =	seq.s32 s10, $0x1;
	s10 =	sld [smem:$0x3FBB];
	_ =	sdelay $0x3  }
0x37: {  	[smem:$0x3FBB] =	sst s10  }
0x38: {  	s10 =	sld [smem:$0x3FBC]  }
0x39: {  	_ = 	snop;
	(pc) =	sbr.ind lr, $3  }
0x3a: {  	_ = 	snop  }
0x3b: {  	_ = 	snop  }
0x3c: {  	p2 =	seq.s32 s10, $0x1;
	s10 =	sld [smem:$0x3FBB]  }
0x3d: {  	_ =	shalt  }
0x3e: {  	_ =	shalt  }
0x3f: {  	_ =	shalt  }
0x40: {  	_ =	shalt  }
0x41: {  	_ =	shalt  }
0x42: {  	_ =	shalt  }
0x43: {  	_ =	shalt  }
0x44: {  	_ =	shalt  }
0x45: {  	_ =	shalt  }
0x46: {  	_ =	shalt  }
0x47: {  	_ =	shalt  }
0x48: {  	_ =	shalt  }
0x49: {  	_ =	shalt  }
0x4a: {  	_ =	shalt  }
0x4b: {  	_ =	shalt  }
0x4c: {  	_ =	shalt  }
0x4d: {  	_ =	shalt  }
0x4e: {  	_ =	shalt  }
0x4f: {  	_ =	shalt  }
0x50: {  	_ =	shalt  }
0x51: {  	_ =	shalt  }
0x52: {  	_ =	shalt  }
0x53: {  	_ =	shalt  }
0x54: {  	_ =	shalt  }
0x55: {  	_ =	shalt  }
0x56: {  	_ =	shalt  }
0x57: {  	_ =	shalt  }
0x58: {  	_ =	shalt  }
0x59: {  	_ =	shalt  }
0x5a: {  	_ =	shalt  }
0x5b: {  	_ =	shalt  }
0x5c: {  	_ =	shalt  }
0x5d: {  	_ =	shalt  }
0x5e: {  	_ =	shalt  }
0x5f: {  	_ =	shalt  }
0x60: {  	_ =	shalt  }
0x61: {  	_ =	shalt  }
0x62: {  	_ =	shalt  }
0x63: {  	_ =	shalt  }
0x64: {  	_ =	shalt  }
0x65: {  	_ =	shalt  }
0x66: {  	_ =	shalt  }
0x67: {  	_ =	shalt  }
0x68: {  	_ =	shalt  }
0x69: {  	_ =	shalt  }
0x6a: {  	_ =	shalt  }
0x6b: {  	_ =	shalt  }
0x6c: {  	_ =	shalt  }
0x6d: {  	_ =	shalt  }
0x6e: {  	_ =	shalt  }
0x6f: {  	_ =	shalt  }
0x70: {  	_ =	shalt  }
0x71: {  	_ =	shalt  }
0x72: {  	_ =	shalt  }
0x73: {  	_ =	shalt  }
0x74: {  	_ =	shalt  }
0x75: {  	_ =	shalt  }
0x76: {  	_ =	shalt  }
0x77: {  	_ =	shalt  }
0x78: {  	_ =	shalt  }
0x79: {  	_ =	shalt  }
0x7a: {  	_ =	shalt  }
0x7b: {  	_ =	shalt  }
0x7c: {  	_ =	shalt  }
0x7d: {  	_ =	shalt  }
0x7e: {  	_ =	shalt  }
0x7f: {  	_ =	shalt  }
0x80: {  	_ =	shalt  }
0x81: {  	_ =	shalt  }
0x82: {  	_ =	shalt  }
0x83: {  	_ =	shalt  }
0x84: {  	_ =	shalt  }
0x85: {  	_ =	shalt  }
0x86: {  	_ =	shalt  }
0x87: {  	_ =	shalt  }
.Lfunc_end0:
.L_simem_size_0:
called_computation_lowered:
.L_overlay_start_0:
0x88: {  	s2 =	sld [smem:$0x3FD9]  }
0x89: {  	s3 =	sld [smem:$0x3FFE];
	_ =	sdelay $0x1  }
0x8a: {  	s1 =	srdreg.scid  }
0x8b: {  	s0 =	sand.u32 $0x1, s1  }
0x8c: {  	s18 =	sshll.u32 s0, $0xA;
	s2 =	sadd.s32 s3, s2  }
0x8d: {  	s2 =	sadd.s32 s2, s18  }
0x8e: {  	[smem:$0x3FC7] =	sst s2  }
0x8f: {  	_ = 	snop  }
0x90: {  	s2 =	sld [smem:$0x3FD0];
	(tm) =	ssettm $0x1  }
0x91: {  	s19 =	sld [smem:$0x3FFB];
	_ =	sdelay $0x3  }
0x92: {  	_ =	strace s19  }
0x93: {  	s3 =	sld [smem:$0x3FFC];
	_ =	sdelay $0x3  }
0x94: {  	_ =	strace s3  }
0x95: {  	s3 =	sld [smem:$0x3FFD];
	_ =	sdelay $0x3  }
0x96: {  	_ =	strace s3  }
0x97: {  	_ =	strace $0x8FFFFFFF  }
0x98: {  	s20 =	sld [smem:$0x3FDB];
	_ =	sdelay $0x1  }
0x99: {  	s4 =	simm.s32 $_scs_section_size  }
0x9a: {  	s5 =	simm.s32 $_size__tile_overlayer_lowered;
	s6 =	simm.s32 $_tile_overlayer_lowered  }
0x9b: {  	s23 =	simm.s32 $0x1BFF;
	s22 =	sshll.u32 s6, $0x1;
	s3 =	sadd.s32 s4, s20  }
0x9c: {  	s7 =	simm.s32 $0x0;
	s21 =	sshll.u32 s5, $0x1;
	s5 =	sadd.s32 s22, s3  }
0x9d: {  	[timem:s7], [sflag:s23] =	dma.local [hbm:s5], s21  }
0x9e: {  	_ =	swait.ge [sflag:s23], s21  }
0x9f: {  	s4 =	ssub.s32 $0x0, s21;
	[sflag:s23] =	ssyncset.done $0x0  }
0xa0: {  	[sflag:s23] =	ssyncadd.s32 s4;
	_ =	sdelay $0x1  }
0xa1: {  	s24 =	simm.s32 $0x1B8B  }
0xa2: {  	_ =	swait.ge [sflag:s24], $0x1  }
0xa3: {  	[sflag:s24] =	ssyncset.done $0x0  }
0xa4: {  	s25 =	simm.s32 $0x1B8E;
	[sflag:s24] =	ssyncadd.s32 $0xFFFFFFFF  }
0xa5: {  	s26 =	simm.s32 $execute0_lowered;
	[smem:$0x3FD2] =	sst s25  }
0xa6: {  	s4 =	sshll.u32 s26, $0x1;
	_ =	strace $0x80000046;
	[dreg:$0x1] =	wrdreg $0xFFFFFFFF  }
0xa7: {  	s28 =	simm.s32 $_size_execute0_lowered;
	s3 =	sadd.s32 s3, s4;
	[dreg:$0x0] =	wrdreg $0x0  }
0xa8: {  	s4 =	sshll.u32 s28, $0x1;
	[dreg:$0x2] =	wrdreg s3  }
0xa9: {  	[dreg:$0x3] =	wrdreg s4  }
0xaa: {  	[dreg:$0x4] =	wrdreg $0xC0  }
0xab: {  	_ =	task [dreg:s7], $0x5FFFF  }
0xac: {  	[dreg:$0x1] =	wrdreg $0xFFFFFFFF  }
0xad: {  	[dreg:$0x0] =	wrdreg $0x60  }
0xae: {  	[dreg:$0x2] =	wrdreg s2  }
0xaf: {  	[dreg:$0x3] =	wrdreg $0x9  }
0xb0: {  	_ =	task.clear_ibuf [dreg:s7], $0x4FFFF;
	_ =	strace $0x90000046  }
0xb1: {  	s29 =	simm.s32 $0x9;
	_ =	strace $0x80000048  }
0xb2: {  	_ =	swait.ge [sflag:s29], $0x1  }
0xb3: {  	[sflag:s29] =	ssyncadd.s32 $0xFFFFFFFF  }
0xb4: {  	_ =	strace $0x90000048  }
0xb5: {  	_ =	sfence  }
0xb6: {  	s30 =	sld [smem:$0x0];
	_ =	sdelay $0x2  }
0xb7: {  	s31 =	sshll.u32 s1, $0xD;
	s1 =	sshrl.u32 s1, $0x2  }
0xb8: {  	s3 =	sand.u32 $0x4000, s31;
	s1 =	sadd.s32 s1, s30  }
0xb9: {  	s0 =	sor.u32 s3, s0;
	s1 =	sshll.u32 s1, $0x11  }
0xba: {  	s0 =	sor.u32 s1, s0  }
0xbb: {  	s0 =	sadd.s32 $0x8F2B, s0  }
0xbc: {  	[sflag:s0] =	ssyncadd.remote.s32 $0x1  }
0xbd: {  	_ =	sfence.sel $0xFFFF  }
0xbe: {  	[dreg:$0x0] =	wrdreg $0xFFFFFFFF;
	(pc) =	sbr.abs _section_cstart, $3  }
0xbf: {  	[dreg:$0x1] =	wrdreg $0xFFFFFFFF  }
0xc0: {  	_ =	task.clear_ibuf [dreg:s7], $0x2FFFF;
	_ =	strace $0x9FFFFFFF  }
0xc1: {  	(tm) =	ssettm $0x7FFFFFFF  }
tec
execute0_lowered:
.L_overlay_start_1:
0x0: {  	(tag) =	ssettag $0x1  }
0x1: {  	s0 =	stileid.u32  }
0x2: {  	s1 =	srdreg.scid;
	s2 =	sshll.u32 s0, $0x1  }
0x3: {  	s3 =	sand.u32 $0x1, s1;
	s26 =	sand.u32 $0x6, s2  }
0x4: {  	s2 =	sor.u32 s3, s26  }
0x5: {  	s5 =	rddreg [dreg:$0x0];
	s12 =	simm.s32 $0x1;
	s2 =	sshll.u32 s2, $0x12  }
0x6: {  	s28 =	sshll.u32 s0, $0x14;
	p0 =	seq.s32 s26, $0x0;
	s4 =	sor.u32 $0x200000, s2  }
0x7: {  	s13 =	simm.s32 $0x0;
	s6 =	sand.u32 $0xC00000, s28;
	s4 =	smov.u32 @p0 s2  }
0x8: {  	s1 =	rddreg [dreg:$0x1];
	s29 =	ssub.s32 $0x2, s3;
	s4 =	sor.u32 s6, s4  }
0x9: {  	s31 =	sshrl.u32 s29, $0x1;
	s2 =	simm.s32 $0x0;
	s30 =	sshrl.u32 s4, $0x3  }
0xa: {  	s11 =	ssub.s32 s29, s31;
	[smem:$0x7FF] =	sst s2;
	s3 =	sadd.s32 s5, s30  }
0xb: {  	s11 =	smax.u32 s11, $0x1;
	_ =	strace $0x80000047;
	s4 =	sadd.s32 $0x1000, s3  }
0xc: {  	s5 =	sadd.s32 $0x2000, s3;
	s6 =	sadd.s32 $0x3000, s3;
	s7 =	sadd.s32 $0x4000, s3  }
0xd: {  	v0 =	vimm.f32 $0.0e+00;
	s8 =	sadd.s32 $0x5000, s3;
	s9 =	sadd.s32 $0x6000, s3;
	s10 =	sadd.s32 $0x7000, s3  }
.LBB2_1:
0xe: {  	s14 =	simm.s32 $0xFFFF8000  }
0xf: {  	s15 =	simm.s32 $0x0;
	s16 =	simm.s32 $0x0;
	s17 =	simm.s32 $0x0  }
.LBB2_2:
0x10: {  	s18 =	sadd.s32 $0x8000, s14  }
0x11: {  	s19 =	sand.u32 $0x380, s17;
	s18 =	sand.u32 $0x6000, s18  }
0x12: {  	s18 =	sor.u32 s19, s18  }
0x13: {  	[tilespmem:s18+$0x0] =	vst v0  }
0x14: {  	[tilespmem:s18+$0x10] =	vst v0  }
0x15: {  	[tilespmem:s18+$0x20] =	vst v0  }
0x16: {  	[tilespmem:s18+$0x30] =	vst v0  }
0x17: {  	[tilespmem:s18+$0x40] =	vst v0  }
0x18: {  	[tilespmem:s18+$0x50] =	vst v0  }
0x19: {  	[tilespmem:s18+$0x60] =	vst v0  }
0x1a: {  	[tilespmem:s18+$0x70] =	vst v0  }
0x1b: {  	[tilespmem:s18+$0x400] =	vst v0  }
0x1c: {  	[tilespmem:s18+$0x410] =	vst v0  }
0x1d: {  	[tilespmem:s18+$0x420] =	vst v0  }
0x1e: {  	[tilespmem:s18+$0x430] =	vst v0  }
0x1f: {  	[tilespmem:s18+$0x440] =	vst v0  }
0x20: {  	[tilespmem:s18+$0x450] =	vst v0  }
0x21: {  	[tilespmem:s18+$0x460] =	vst v0  }
0x22: {  	[tilespmem:s18+$0x470] =	vst v0  }
0x23: {  	[tilespmem:s18+$0x800] =	vst v0  }
0x24: {  	[tilespmem:s18+$0x810] =	vst v0  }
0x25: {  	[tilespmem:s18+$0x820] =	vst v0  }
0x26: {  	[tilespmem:s18+$0x830] =	vst v0  }
0x27: {  	[tilespmem:s18+$0x840] =	vst v0  }
0x28: {  	[tilespmem:s18+$0x850] =	vst v0  }
0x29: {  	[tilespmem:s18+$0x860] =	vst v0  }
0x2a: {  	[tilespmem:s18+$0x870] =	vst v0  }
0x2b: {  	[tilespmem:s18+$0xC00] =	vst v0  }
0x2c: {  	[tilespmem:s18+$0xC10] =	vst v0  }
0x2d: {  	[tilespmem:s18+$0xC20] =	vst v0  }
0x2e: {  	[tilespmem:s18+$0xC30] =	vst v0  }
0x2f: {  	[tilespmem:s18+$0xC40] =	vst v0  }
0x30: {  	[tilespmem:s18+$0xC50] =	vst v0  }
0x31: {  	[tilespmem:s18+$0xC60] =	vst v0  }
0x32: {  	[tilespmem:s18+$0xC70] =	vst v0  }
0x33: {  	[tilespmem:s18+$0x1000] =	vst v0  }
0x34: {  	[tilespmem:s18+$0x1010] =	vst v0  }
0x35: {  	[tilespmem:s18+$0x1020] =	vst v0  }
0x36: {  	[tilespmem:s18+$0x1030] =	vst v0  }
0x37: {  	[tilespmem:s18+$0x1040] =	vst v0  }
0x38: {  	[tilespmem:s18+$0x1050] =	vst v0  }
0x39: {  	[tilespmem:s18+$0x1060] =	vst v0  }
0x3a: {  	[tilespmem:s18+$0x1070] =	vst v0  }
0x3b: {  	[tilespmem:s18+$0x1400] =	vst v0  }
0x3c: {  	[tilespmem:s18+$0x1410] =	vst v0  }
0x3d: {  	[tilespmem:s18+$0x1420] =	vst v0  }
0x3e: {  	[tilespmem:s18+$0x1430] =	vst v0  }
0x3f: {  	[tilespmem:s18+$0x1440] =	vst v0  }
0x40: {  	[tilespmem:s18+$0x1450] =	vst v0  }
0x41: {  	[tilespmem:s18+$0x1460] =	vst v0  }
0x42: {  	[tilespmem:s18+$0x1470] =	vst v0  }
0x43: {  	[tilespmem:s18+$0x1800] =	vst v0  }
0x44: {  	[tilespmem:s18+$0x1810] =	vst v0  }
0x45: {  	[tilespmem:s18+$0x1820] =	vst v0  }
0x46: {  	[tilespmem:s18+$0x1830] =	vst v0  }
0x47: {  	s22 =	sand.u32 $0x7, s15;
	[tilespmem:s18+$0x1840] =	vst v0  }
0x48: {  	s19 =	sshll.u32 s22, $0x7;
	[tilespmem:s18+$0x1850] =	vst v0  }
0x49: {  	s19 =	sadd.s32 s19, s16;
	[tilespmem:s18+$0x1860] =	vst v0  }
0x4a: {  	[tilespmem:s18+$0x1870] =	vst v0;
	s23 =	sor.u32 $0x1C00, s19  }
0x4b: {  	s24 =	sor.u32 $0x1C10, s19;
	[tilespmem:s23+$0x0] =	vst v0  }
0x4c: {  	s25 =	sor.u32 $0x1C20, s19;
	[tilespmem:s24+$0x0] =	vst v0  }
0x4d: {  	p0 =	sne.s32 s17, $0xF80;
	s26 =	sor.u32 $0x1C30, s19;
	[tilespmem:s25+$0x0] =	vst v0  }
.Ltmp0:
0x4e: {  	s28 =	sor.u32 $0x1C40, s19;
	[tilespmem:s26+$0x0] =	vst v0;
	(pc) =	sbr.rel @p0 .LBB2_2-.Ltmp0, $4  }
0x4f: {  	s29 =	sor.u32 $0x1C50, s19;
	[tilespmem:s28+$0x0] =	vst v0  }
0x50: {  	s30 =	sor.u32 $0x1C60, s19;
	[tilespmem:s29+$0x0] =	vst v0  }
0x51: {  	s15 =	sadd.s32 $0x1, s15;
	s31 =	sor.u32 $0x1C70, s19;
	[tilespmem:s30+$0x0] =	vst v0  }
0x52: {  	s14 =	sadd.s32 $0x400, s14;
	s17 =	sadd.s32 $0x80, s17;
	s16 =	sadd.s32 $0x400, s16;
	[tilespmem:s31+$0x0] =	vst v0  }
0x53: {  	[hbm4b:s3+s2] =	stream.linear.scatter [tilespmem:s2], [sflag:$0x1], $0x8000, $0x38;
	[tilespmem:$0x8000] =	vst v63  }
0x54: {  	_ = 	snop  }
0x55: {  	[hbm4b:s4+s2] =	stream.linear.scatter [tilespmem:s2], [sflag:$0x1], $0x8000, $0x38;
	[tilespmem:$0x8000] =	vst v63  }
0x56: {  	_ = 	snop  }
0x57: {  	[hbm4b:s5+s2] =	stream.linear.scatter [tilespmem:s2], [sflag:$0x1], $0x8000, $0x38;
	[tilespmem:$0x8000] =	vst v63  }
0x58: {  	_ = 	snop  }
0x59: {  	[hbm4b:s6+s2] =	stream.linear.scatter [tilespmem:s2], [sflag:$0x1], $0x8000, $0x38;
	[tilespmem:$0x8000] =	vst v63  }
0x5a: {  	_ = 	snop  }
0x5b: {  	[hbm4b:s7+s2] =	stream.linear.scatter [tilespmem:s2], [sflag:$0x1], $0x8000, $0x38;
	[tilespmem:$0x8000] =	vst v63  }
0x5c: {  	_ = 	snop  }
0x5d: {  	[hbm4b:s8+s2] =	stream.linear.scatter [tilespmem:s2], [sflag:$0x1], $0x8000, $0x38;
	[tilespmem:$0x8000] =	vst v63  }
0x5e: {  	_ = 	snop  }
0x5f: {  	[hbm4b:s9+s2] =	stream.linear.scatter [tilespmem:s2], [sflag:$0x1], $0x8000, $0x38;
	[tilespmem:$0x8000] =	vst v63  }
0x60: {  	_ = 	snop  }
0x61: {  	[hbm4b:s10+s2] =	stream.linear.scatter [tilespmem:s2], [sflag:$0x1], $0x8000, $0x38;
	[tilespmem:$0x8000] =	vst v63  }
0x62: {  	_ =	swait.ge [sflag:s12], $0x8000  }
0x63: {  	[sflag:s12] =	ssyncset.done $0x0  }
0x64: {  	[sflag:s12] =	ssyncadd.s32 $0xFFFF8000  }
0x65: {  	_ =	swait.ge [sflag:s12], $0x8000  }
0x66: {  	[sflag:s12] =	ssyncset.done $0x0  }
0x67: {  	[sflag:s12] =	ssyncadd.s32 $0xFFFF8000  }
0x68: {  	_ =	swait.ge [sflag:s12], $0x8000  }
0x69: {  	[sflag:s12] =	ssyncset.done $0x0  }
0x6a: {  	[sflag:s12] =	ssyncadd.s32 $0xFFFF8000  }
0x6b: {  	_ =	swait.ge [sflag:s12], $0x8000  }
0x6c: {  	[sflag:s12] =	ssyncset.done $0x0  }
0x6d: {  	[sflag:s12] =	ssyncadd.s32 $0xFFFF8000  }
0x6e: {  	_ =	swait.ge [sflag:s12], $0x8000  }
0x6f: {  	[sflag:s12] =	ssyncset.done $0x0  }
0x70: {  	[sflag:s12] =	ssyncadd.s32 $0xFFFF8000  }
0x71: {  	_ =	swait.ge [sflag:s12], $0x8000  }
0x72: {  	[sflag:s12] =	ssyncset.done $0x0  }
0x73: {  	s13 =	sadd.s32 $0x1, s13;
	[sflag:s12] =	ssyncadd.s32 $0xFFFF8000  }
0x74: {  	p0 =	sne.s32 s13, s11;
	_ =	swait.ge [sflag:s12], $0x8000  }
.Ltmp1:
0x75: {  	[sflag:s12] =	ssyncset.done $0x0;
	(pc) =	sbr.rel @p0 .LBB2_1-.Ltmp1, $4  }
0x76: {  	[sflag:s12] =	ssyncadd.s32 $0xFFFF8000  }
0x77: {  	_ =	swait.ge [sflag:s12], $0x8000  }
0x78: {  	[sflag:s12] =	ssyncset.done $0x0  }
0x79: {  	[sflag:s12] =	ssyncadd.s32 $0xFFFF8000  }
0x7a: {  	_ =	sfence.sel $0x180000  }
0x7b: {  	[bflag:$0x0] =	sbarrier.arrive $0xFFFF  }
0x7c: {  	p0 =	sne.s32 s0, $0x0;
	_ =	strace $0x90000047  }
0x7d: {  	s0 =	sadd.s32 @!p0 $0x100000, s1;
	[bflag:$0x2] =	sbarrier.arrive $0xFFFF  }
0x7e: {  	[sflag:s0] =	ssyncadd.tile.s32 @!p0 $0x1;
	_ =	shalt  }
.Lfunc_end2:
_tile_overlayer_lowered:
.L_overlay_start_2:
0x7f: {  	(tag) =	ssettag $0x2  }
0x80: {  	s0 =	rddreg [dreg:$0x0];
	s2 =	stileid.u32  }
0x81: {  	s1 =	rddreg [dreg:$0x1];
	p0 =	sne.s32 s2, $0x0  }
0x82: {  	s3 =	rddreg [dreg:$0x2];
	[bflag:$0x3] =	sbarrier.arrive $0xFFFF;
	s2 =	simm.s32 @!p0 $0x1C02  }
0x83: {  	[timem:s3], [sflag:s2] =	dma.local @!p0 [hbm:s0], s1  }
0x84: {  	s0 =	simm.s32 @!p0 $0x2  }
0x85: {  	_ =	swait.ge @!p0 [sflag:s0], s1  }
0x86: {  	s1 =	ssub.s32 @!p0 $0x0, s1;
	[sflag:s0] =	ssyncset.done @!p0 $0x0  }
0x87: {  	[sflag:s0] =	ssyncadd.s32 @!p0 s1  }
0x88: {  	[bflag:$0x3] =	sbarrier.arrive $0xFFFF  }
0x89: {  	_ =	shalt  }

</sc_bundles>
